<compile_context>
chip_gen: v7x
topology: tpu7x:2x2x1
jax: 0.10.2.dev20260603
libtpu: 0.0.44.dev20260713+nightly
codegen_flags: <defaults>
</compile_context>

<pallas_src>
import functools

import jax
import jax.numpy as jnp
from jax import lax
from jax.experimental import pallas as pl
from jax.experimental.pallas import tpu as pltpu
from jax.experimental.pallas import tpu_sc as plsc

N = 10000
E = 320000
D = 128
DDEG = 16
NC = 2
NS = 16
NW = NC * NS
EPT = E // NW
CHUNK = 80
NCH = EPT // CHUNK
OPT = N // NS

_mesh = plsc.VectorSubcoreMesh(
    core_axis_name="c", subcore_axis_name="s", num_cores=NC, num_subcores=NS
)


@functools.partial(
    pl.kernel,
    out_type=[
        jax.ShapeDtypeStruct((NC, N, D), jnp.bfloat16),
        jax.ShapeDtypeStruct((NC, N, DDEG), jnp.float32),
    ],
    mesh=_mesh,
    compiler_params=pltpu.CompilerParams(use_tc_tiling_on_sc=False),
    scratch_types=[
        pltpu.VMEM((EPT,), jnp.int32),
        pltpu.VMEM((EPT,), jnp.int32),
        pltpu.VMEM((5, CHUNK, D), jnp.bfloat16),
        pltpu.VMEM((CHUNK, DDEG), jnp.float32),
        pltpu.VMEM((CHUNK, DDEG), jnp.float32),
        pltpu.VMEM_SHARED((N, D), jnp.bfloat16),
        pltpu.VMEM_SHARED((N, DDEG), jnp.float32),
        [pltpu.SemaphoreType.DMA] * 5,
        [pltpu.SemaphoreType.DMA] * 5,
        [pltpu.SemaphoreType.DMA] * 5,
    ],
)
def _sc_aggregate(x_hbm, col_hbm, row_hbm, outf_hbm, outd_hbm,
                  colv, rowv, bufs, onesb, zerob, accf, accd,
                  gsems, fsems, dsems):
    c = lax.axis_index("c")
    s = lax.axis_index("s")
    wid = c * NS + s

    pltpu.sync_copy(col_hbm.at[wid], colv)
    pltpu.sync_copy(row_hbm.at[wid], rowv)

    zeros16 = jnp.zeros((16,), jnp.float32)
    ones16 = jnp.ones((16,), jnp.float32)
    zeros32b = jnp.zeros((32,), jnp.bfloat16)

    def _z(i, carry):
        q = lax.rem(i, D // 32)
        bufs[0, i // (D // 32), pl.ds(q * 32, 32)] = zeros32b
        return carry

    lax.fori_loop(0, CHUNK * (D // 32), _z, 0)

    def _z2(i, carry):
        onesb[i, pl.ds(0, 16)] = ones16
        zerob[i, pl.ds(0, 16)] = zeros16
        return carry

    lax.fori_loop(0, CHUNK, _z2, 0)

    base = s * OPT
    for k in range(OPT // CHUNK):
        pltpu.sync_copy(bufs.at[0], accf.at[pl.ds(base + k * CHUNK, CHUNK)])
        pltpu.sync_copy(zerob, accd.at[pl.ds(base + k * CHUNK, CHUNK)])
    rem = OPT % CHUNK
    if rem:
        off = base + (OPT // CHUNK) * CHUNK
        pltpu.sync_copy(bufs.at[0].at[pl.ds(0, rem)], accf.at[pl.ds(off, rem)])
        pltpu.sync_copy(zerob.at[pl.ds(0, rem)], accd.at[pl.ds(off, rem)])
    plsc.subcore_barrier()

    NB = 5

    def _quint(g, carry):
        j0 = g * NB
        cidx = [colv.at[pl.ds((j0 + b) * CHUNK, CHUNK)] for b in range(NB)]
        ridx = [rowv.at[pl.ds((j0 + b) * CHUNK, CHUNK)] for b in range(NB)]
        ds = [pltpu.async_copy(x_hbm.at[cidx[b]], bufs.at[b], gsems[b])
              for b in range(NB)]
        ss = []
        for b in range(NB):
            ds[b].wait()
            sf = pltpu.make_async_copy(bufs.at[b], accf.at[ridx[b]], fsems[b])
            sf.start(add=True)
            sd = pltpu.make_async_copy(onesb, accd.at[ridx[b]], dsems[b])
            sd.start(add=True)
            ss += [sf, sd]
        for sc_ in ss:
            sc_.wait()
        return carry

    lax.fori_loop(0, NCH // NB, _quint, 0)
    plsc.subcore_barrier()

    pltpu.sync_copy(accf.at[pl.ds(base, OPT)], outf_hbm.at[c, pl.ds(base, OPT)])
    pltpu.sync_copy(accd.at[pl.ds(base, OPT)], outd_hbm.at[c, pl.ds(base, OPT)])


def _tc_body(pf0_ref, pf1_ref, pd0_ref, pd1_ref,
             w0_ref, b0_ref, w1_ref, b1_ref, y_ref):
    feat = (pf0_ref[0].astype(jnp.float32)
            + pf1_ref[0].astype(jnp.float32))
    deg = (pd0_ref[0] + pd1_ref[0])[:, :1]
    has_edge = jnp.minimum(deg, 1.0)
    m = feat / jnp.maximum(deg, 1.0)
    h = jnp.dot(m, w0_ref[...], preferred_element_type=jnp.float32)
    h = jnp.maximum(h + has_edge * b0_ref[...], 0.0)
    y_ref[...] = (jnp.dot(h, w1_ref[...], preferred_element_type=jnp.float32)
                  + b1_ref[...])


RB = 2000


def kernel(x, edge_index, W0, b0, W1, b1):
    colp = edge_index[1].astype(jnp.int32).reshape(NW, EPT)
    rowp = edge_index[0].astype(jnp.int32).reshape(NW, EPT)

    pf, pd = _sc_aggregate(x.astype(jnp.bfloat16), colp, rowp)

    y = pl.pallas_call(
        _tc_body,
        grid=(N // RB,),
        in_specs=[
            pl.BlockSpec((1, RB, D), lambda i: (0, i, 0)),
            pl.BlockSpec((1, RB, D), lambda i: (1, i, 0)),
            pl.BlockSpec((1, RB, DDEG), lambda i: (0, i, 0)),
            pl.BlockSpec((1, RB, DDEG), lambda i: (1, i, 0)),
            pl.BlockSpec((D, D), lambda i: (0, 0)),
            pl.BlockSpec((1, D), lambda i: (0, 0)),
            pl.BlockSpec((D, D), lambda i: (0, 0)),
            pl.BlockSpec((1, D), lambda i: (0, 0)),
        ],
        out_specs=pl.BlockSpec((RB, D), lambda i: (i, 0)),
        out_shape=jax.ShapeDtypeStruct((N, D), jnp.float32),
    )(pf, pf, pd, pd, W0, b0.reshape(1, D), W1, b1.reshape(1, D))
    return y

# --- scband reference (transcript-rebuilt; emitter-appended) ---
"""Pipeline reference for scband-simple-gnn-25177098289708 (READ-ONLY COPY).

The authoritative reference and input builder live on the scoring server;
editing this copy changes nothing except your own understanding.
"""

import jax, jax.numpy as jnp
import numpy as np

N_NODES = 10000
N_EDGES = 320000
D_IN = 128
D_HID = 128
D_OUT = 128


def setup_inputs(seed: int = 0) -> dict:
    key = jax.random.key(seed)
    k1, k2, k3, k4, k5, k6 = jax.random.split(key, 6)
    x = jax.random.normal(k1, (N_NODES, D_IN), dtype=jnp.float32)
    edge_index = jax.random.randint(k2, (2, N_EDGES), 0, N_NODES, dtype=jnp.int64)
    # Linear layer params (stored as [in, out] so forward is x @ W + b)
    W0 = jax.random.normal(k3, (D_IN, D_HID), dtype=jnp.float32) * (1.0 / np.sqrt(D_IN))
    b0 = jax.random.normal(k4, (D_HID,), dtype=jnp.float32) * 0.01
    W1 = jax.random.normal(k5, (D_HID, D_OUT), dtype=jnp.float32) * (1.0 / np.sqrt(D_HID))
    b1 = jax.random.normal(k6, (D_OUT,), dtype=jnp.float32) * 0.01
    return {"x": x, "edge_index": edge_index, "W0": W0, "b0": b0, "W1": W1, "b1": b1}


def reference(x, edge_index, W0, b0, W1, b1):
    # Layer 0 (all layers except last): linear -> mean-aggregate message passing -> relu
    h = x @ W0 + b0
    row = edge_index[0]
    col = edge_index[1]
    out = jnp.zeros_like(h).at[row].add(h[col])
    degree = jnp.bincount(row, minlength=h.shape[0], length=h.shape[0]).astype(jnp.float32)
    degree = jnp.clip(degree, 1.0, None)
    h = out / degree[:, None]
    h = jax.nn.relu(h)
    # Final layer: plain linear
    y = h @ W1 + b1
    return y

if __name__ == "__main__":
    import jax
    _d = setup_inputs()
    print(jax.jit(kernel)(*tuple(_d.values())))

</pallas_src>

<mosaic_0001>
#map = affine_map<(d0, d1) -> (0, 0)>
#map1 = affine_map<(d0, d1) -> (0, 0, 0)>
module attributes {stable_mosaic.version = 14 : i64} {
  func.func @_sc_aggregate(%arg0: i32, %arg1: i32, %arg2: memref<10000x128xbf16, #tpu.memory_space<hbm>>, %arg3: memref<32x10000xi32, #tpu.memory_space<hbm>>, %arg4: memref<32x10000xi32, #tpu.memory_space<hbm>>, %arg5: memref<2x10000x128xbf16, #tpu.memory_space<hbm>>, %arg6: memref<2x10000x16xf32, #tpu.memory_space<hbm>>, %arg7: memref<10000xi32, #tpu.memory_space<vmem>>, %arg8: memref<10000xi32, #tpu.memory_space<vmem>>, %arg9: memref<5x80x128xbf16, #tpu.memory_space<vmem>>, %arg10: memref<80x16xf32, #tpu.memory_space<vmem>>, %arg11: memref<80x16xf32, #tpu.memory_space<vmem>>, %arg12: memref<10000x128xbf16, #tpu.memory_space<vmem_shared>>, %arg13: memref<10000x16xf32, #tpu.memory_space<vmem_shared>>, %arg14: memref<!tpu.dma_semaphore, #tpu.memory_space<semaphore_mem>>, %arg15: memref<!tpu.dma_semaphore, #tpu.memory_space<semaphore_mem>>, %arg16: memref<!tpu.dma_semaphore, #tpu.memory_space<semaphore_mem>>, %arg17: memref<!tpu.dma_semaphore, #tpu.memory_space<semaphore_mem>>, %arg18: memref<!tpu.dma_semaphore, #tpu.memory_space<semaphore_mem>>, %arg19: memref<!tpu.dma_semaphore, #tpu.memory_space<semaphore_mem>>, %arg20: memref<!tpu.dma_semaphore, #tpu.memory_space<semaphore_mem>>, %arg21: memref<!tpu.dma_semaphore, #tpu.memory_space<semaphore_mem>>, %arg22: memref<!tpu.dma_semaphore, #tpu.memory_space<semaphore_mem>>, %arg23: memref<!tpu.dma_semaphore, #tpu.memory_space<semaphore_mem>>, %arg24: memref<!tpu.dma_semaphore, #tpu.memory_space<semaphore_mem>>, %arg25: memref<!tpu.dma_semaphore, #tpu.memory_space<semaphore_mem>>, %arg26: memref<!tpu.dma_semaphore, #tpu.memory_space<semaphore_mem>>, %arg27: memref<!tpu.dma_semaphore, #tpu.memory_space<semaphore_mem>>, %arg28: memref<!tpu.dma_semaphore, #tpu.memory_space<semaphore_mem>>) attributes {dimension_semantics = [#tpu.dimension_semantics<core_parallel>, #tpu.dimension_semantics<subcore_parallel>], iteration_bounds = array<i64: 2, 16>, scalar_prefetch = 0 : i64, scratch_operands = 22 : i64, tpu.core_type = #tpu.core_type<sc_vector_subcore>, window_params = [{transform_indices = #map}, {transform_indices = #map}, {transform_indices = #map}, {transform_indices = #map1}, {transform_indices = #map1}]} {
    %mul3A = arith.constant 16 : i32
    %mul3A_0 = arith.muli %arg0, %mul3A : i32
    %add3A = arith.addi %mul3A_0, %arg1 : i32
    "tpu.region"() ({
      %run_scoped3A_63 = tpu.sem_alloc : memref<!tpu.dma_semaphore, #tpu.memory_space<semaphore_mem>>
      %dma_start3A = arith.constant 0 : i32
      %dma_start3A_64 = tpu.memref_slice %arg3[%add3A, %dma_start3A] : memref<32x10000xi32, #tpu.memory_space<hbm>> -> memref<1x10000xi32, #tpu.memory_space<hbm>>
      %dma_start3A_65 = tpu.memref_squeeze %dma_start3A_64 : memref<1x10000xi32, #tpu.memory_space<hbm>> -> memref<10000xi32, #tpu.memory_space<hbm>>
      %dma_start3A_66 = arith.constant 0 : i32
      %dma_start3A_67 = tpu.memref_slice %arg3[%add3A, %dma_start3A_66] : memref<32x10000xi32, #tpu.memory_space<hbm>> -> memref<1x10000xi32, #tpu.memory_space<hbm>>
      %dma_start3A_68 = tpu.memref_squeeze %dma_start3A_67 : memref<1x10000xi32, #tpu.memory_space<hbm>> -> memref<10000xi32, #tpu.memory_space<hbm>>
      tpu.enqueue_dma source(%dma_start3A_68 : memref<10000xi32, #tpu.memory_space<hbm>>) target(%arg7 : memref<10000xi32, #tpu.memory_space<vmem>>) target_semaphore(%run_scoped3A_63 : memref<!tpu.dma_semaphore, #tpu.memory_space<semaphore_mem>>)
      %dma_wait3A = arith.constant 0 : i32
      %dma_wait3A_69 = tpu.memref_slice %arg3[%add3A, %dma_wait3A] : memref<32x10000xi32, #tpu.memory_space<hbm>> -> memref<1x10000xi32, #tpu.memory_space<hbm>>
      %dma_wait3A_70 = tpu.memref_squeeze %dma_wait3A_69 : memref<1x10000xi32, #tpu.memory_space<hbm>> -> memref<10000xi32, #tpu.memory_space<hbm>>
      %dma_wait3A_71 = arith.constant 0 : i32
      %dma_wait3A_72 = tpu.memref_slice %arg3[%add3A, %dma_wait3A_71] : memref<32x10000xi32, #tpu.memory_space<hbm>> -> memref<1x10000xi32, #tpu.memory_space<hbm>>
      %dma_wait3A_73 = tpu.memref_squeeze %dma_wait3A_72 : memref<1x10000xi32, #tpu.memory_space<hbm>> -> memref<10000xi32, #tpu.memory_space<hbm>>
      tpu.wait_dma2 semaphore(%run_scoped3A_63 : memref<!tpu.dma_semaphore, #tpu.memory_space<semaphore_mem>>) src(%dma_wait3A_73 : memref<10000xi32, #tpu.memory_space<hbm>>) dst(%arg7 : memref<10000xi32, #tpu.memory_space<vmem>>)
      tpu.yield
    }) : () -> ()
    "tpu.region"() ({
      %run_scoped3A_63 = tpu.sem_alloc : memref<!tpu.dma_semaphore, #tpu.memory_space<semaphore_mem>>
      %dma_start3A = arith.constant 0 : i32
      %dma_start3A_64 = tpu.memref_slice %arg4[%add3A, %dma_start3A] : memref<32x10000xi32, #tpu.memory_space<hbm>> -> memref<1x10000xi32, #tpu.memory_space<hbm>>
      %dma_start3A_65 = tpu.memref_squeeze %dma_start3A_64 : memref<1x10000xi32, #tpu.memory_space<hbm>> -> memref<10000xi32, #tpu.memory_space<hbm>>
      %dma_start3A_66 = arith.constant 0 : i32
      %dma_start3A_67 = tpu.memref_slice %arg4[%add3A, %dma_start3A_66] : memref<32x10000xi32, #tpu.memory_space<hbm>> -> memref<1x10000xi32, #tpu.memory_space<hbm>>
      %dma_start3A_68 = tpu.memref_squeeze %dma_start3A_67 : memref<1x10000xi32, #tpu.memory_space<hbm>> -> memref<10000xi32, #tpu.memory_space<hbm>>
      tpu.enqueue_dma source(%dma_start3A_68 : memref<10000xi32, #tpu.memory_space<hbm>>) target(%arg8 : memref<10000xi32, #tpu.memory_space<vmem>>) target_semaphore(%run_scoped3A_63 : memref<!tpu.dma_semaphore, #tpu.memory_space<semaphore_mem>>)
      %dma_wait3A = arith.constant 0 : i32
      %dma_wait3A_69 = tpu.memref_slice %arg4[%add3A, %dma_wait3A] : memref<32x10000xi32, #tpu.memory_space<hbm>> -> memref<1x10000xi32, #tpu.memory_space<hbm>>
      %dma_wait3A_70 = tpu.memref_squeeze %dma_wait3A_69 : memref<1x10000xi32, #tpu.memory_space<hbm>> -> memref<10000xi32, #tpu.memory_space<hbm>>
      %dma_wait3A_71 = arith.constant 0 : i32
      %dma_wait3A_72 = tpu.memref_slice %arg4[%add3A, %dma_wait3A_71] : memref<32x10000xi32, #tpu.memory_space<hbm>> -> memref<1x10000xi32, #tpu.memory_space<hbm>>
      %dma_wait3A_73 = tpu.memref_squeeze %dma_wait3A_72 : memref<1x10000xi32, #tpu.memory_space<hbm>> -> memref<10000xi32, #tpu.memory_space<hbm>>
      tpu.wait_dma2 semaphore(%run_scoped3A_63 : memref<!tpu.dma_semaphore, #tpu.memory_space<semaphore_mem>>) src(%dma_wait3A_73 : memref<10000xi32, #tpu.memory_space<hbm>>) dst(%arg8 : memref<10000xi32, #tpu.memory_space<vmem>>)
      tpu.yield
    }) : () -> ()
    %broadcast_in_dim3A = arith.constant 0.000000e+00 : f32
    %broadcast_in_dim3A_1 = vector.broadcast %broadcast_in_dim3A : f32 to vector<16xf32>
    %broadcast_in_dim3A_2 = arith.constant 1.000000e+00 : f32
    %broadcast_in_dim3A_3 = vector.broadcast %broadcast_in_dim3A_2 : f32 to vector<16xf32>
    %broadcast_in_dim3A_4 = arith.constant 0.000000e+00 : bf16
    %broadcast_in_dim3A_5 = vector.broadcast %broadcast_in_dim3A_4 : bf16 to vector<32xbf16>
    %scan3A = arith.constant 0 : i32
    %scan3A_6 = arith.constant 0 : i32
    %scan3A_7 = arith.constant 320 : i32
    %scan3A_8 = arith.addi %scan3A_6, %scan3A_7 : i32
    %scan3A_9 = arith.constant 1 : i32
    scf.for %scan3A_63 = %scan3A_6 to %scan3A_8 step %scan3A_9  : i32 {
      %rem3A = arith.constant 4 : i32
      %rem3A_64 = arith.remsi %scan3A_63, %rem3A : i32
      %jit3A = arith.constant 4 : i32
      %div3A = arith.divsi %scan3A_63, %jit3A : i32
      %sign3A = arith.constant 0 : i32
      %sign3A_65 = arith.cmpi sgt, %scan3A_63, %sign3A : i32
      %sign3A_66 = arith.extui %sign3A_65 : i1 to i32
      %sign3A_67 = arith.constant 0 : i32
      %sign3A_68 = arith.cmpi slt, %scan3A_63, %sign3A_67 : i32
      %sign3A_69 = arith.extui %sign3A_68 : i1 to i32
      %sign3A_70 = arith.subi %sign3A_66, %sign3A_69 : i32
      %sign3A_71 = arith.constant 0 : i32
      %sign3A_72 = arith.cmpi sgt, %jit3A, %sign3A_71 : i32
      %sign3A_73 = arith.extui %sign3A_72 : i1 to i32
      %sign3A_74 = arith.constant 0 : i32
      %sign3A_75 = arith.cmpi slt, %jit3A, %sign3A_74 : i32
      %sign3A_76 = arith.extui %sign3A_75 : i1 to i32
      %sign3A_77 = arith.subi %sign3A_73, %sign3A_76 : i32
      %ne3A = arith.cmpi ne, %sign3A_70, %sign3A_77 : i32
      %rem3A_78 = arith.remsi %scan3A_63, %jit3A : i32
      %ne3A_79 = arith.constant 0 : i32
      %ne3A_80 = arith.cmpi ne, %rem3A_78, %ne3A_79 : i32
      %and3A = arith.andi %ne3A, %ne3A_80 : i1
      %sub3A = arith.constant 1 : i32
      %sub3A_81 = arith.subi %div3A, %sub3A : i32
      %select_n3A = arith.select %and3A, %sub3A_81, %div3A : i32
      %mul3A_82 = arith.constant 32 : i32
      %mul3A_83 = arith.muli %rem3A_64, %mul3A_82 : i32
      %swap3A = arith.constant 0 : i32
      %swap3A_84 = arith.index_cast %swap3A : i32 to index
      %swap3A_85 = arith.index_cast %select_n3A : i32 to index
      %swap3A_86 = arith.index_cast %mul3A_83 : i32 to index
      %swap3A_87 = tpu.vector_load %arg9[%swap3A_84, %swap3A_85, %swap3A_86] {strides = array<i32>} : memref<5x80x128xbf16, #tpu.memory_space<vmem>>, vector<1x1x32xbf16>,
      %swap3A_88 = vector.shape_cast %swap3A_87 : vector<1x1x32xbf16> to vector<32xbf16>
      %swap3A_89 = vector.shape_cast %broadcast_in_dim3A_5 : vector<32xbf16> to vector<1x1x32xbf16>
      tpu.vector_store %arg9[%swap3A_84, %swap3A_85, %swap3A_86], %swap3A_89 {strides = array<i32>} : memref<5x80x128xbf16, #tpu.memory_space<vmem>>, vector<1x1x32xbf16>,
    }
    %scan3A_10 = arith.constant 320 : i32
    %scan3A_11 = arith.constant 0 : i32
    %scan3A_12 = arith.constant 0 : i32
    %scan3A_13 = arith.constant 80 : i32
    %scan3A_14 = arith.addi %scan3A_12, %scan3A_13 : i32
    %scan3A_15 = arith.constant 1 : i32
    scf.for %scan3A_63 = %scan3A_12 to %scan3A_14 step %scan3A_15  : i32 {
      %swap3A = arith.index_cast %scan3A_63 : i32 to index
      %swap3A_64 = arith.constant 0 : index
      %swap3A_65 = tpu.vector_load %arg10[%swap3A, %swap3A_64] {strides = array<i32>} : memref<80x16xf32, #tpu.memory_space<vmem>>, vector<1x16xf32>,
      %swap3A_66 = vector.shape_cast %swap3A_65 : vector<1x16xf32> to vector<16xf32>
      %swap3A_67 = vector.shape_cast %broadcast_in_dim3A_3 : vector<16xf32> to vector<1x16xf32>
      tpu.vector_store %arg10[%swap3A, %swap3A_64], %swap3A_67 {strides = array<i32>} : memref<80x16xf32, #tpu.memory_space<vmem>>, vector<1x16xf32>,
      %swap3A_68 = arith.index_cast %scan3A_63 : i32 to index
      %swap3A_69 = arith.constant 0 : index
      %swap3A_70 = tpu.vector_load %arg11[%swap3A_68, %swap3A_69] {strides = array<i32>} : memref<80x16xf32, #tpu.memory_space<vmem>>, vector<1x16xf32>,
      %swap3A_71 = vector.shape_cast %swap3A_70 : vector<1x16xf32> to vector<16xf32>
      %swap3A_72 = vector.shape_cast %broadcast_in_dim3A_1 : vector<16xf32> to vector<1x16xf32>
      tpu.vector_store %arg11[%swap3A_68, %swap3A_69], %swap3A_72 {strides = array<i32>} : memref<80x16xf32, #tpu.memory_space<vmem>>, vector<1x16xf32>,
    }
    %scan3A_16 = arith.constant 80 : i32
    %mul3A_17 = arith.constant 625 : i32
    %mul3A_18 = arith.muli %arg1, %mul3A_17 : i32
    %add3A_19 = arith.constant 0 : i32
    %add3A_20 = arith.addi %mul3A_18, %add3A_19 : i32
    %run_scoped3A = arith.constant 0 : i32
    "tpu.region"() ({
      %run_scoped3A_63 = tpu.sem_alloc : memref<!tpu.dma_semaphore, #tpu.memory_space<semaphore_mem>>
      %dma_start3A = arith.constant 0 : i32
      %dma_start3A_64 = arith.constant 0 : i32
      %dma_start3A_65 = tpu.memref_slice %arg9[%run_scoped3A, %dma_start3A, %dma_start3A_64] : memref<5x80x128xbf16, #tpu.memory_space<vmem>> -> memref<1x80x128xbf16, #tpu.memory_space<vmem>>
      %dma_start3A_66 = tpu.memref_squeeze %dma_start3A_65 : memref<1x80x128xbf16, #tpu.memory_space<vmem>> -> memref<80x128xbf16, #tpu.memory_space<vmem>>
      %dma_start3A_67 = arith.constant 0 : i32
      %dma_start3A_68 = tpu.memref_slice %arg12[%add3A_20, %dma_start3A_67] : memref<10000x128xbf16, #tpu.memory_space<vmem_shared>> -> memref<80x128xbf16, #tpu.memory_space<vmem_shared>>
      %dma_start3A_69 = arith.constant 0 : i32
      %dma_start3A_70 = tpu.memref_slice %arg12[%add3A_20, %dma_start3A_69] : memref<10000x128xbf16, #tpu.memory_space<vmem_shared>> -> memref<80x128xbf16, #tpu.memory_space<vmem_shared>>
      %dma_start3A_71 = arith.constant 0 : i32
      %dma_start3A_72 = arith.constant 0 : i32
      %dma_start3A_73 = tpu.memref_slice %arg9[%run_scoped3A, %dma_start3A_71, %dma_start3A_72] : memref<5x80x128xbf16, #tpu.memory_space<vmem>> -> memref<1x80x128xbf16, #tpu.memory_space<vmem>>
      %dma_start3A_74 = tpu.memref_squeeze %dma_start3A_73 : memref<1x80x128xbf16, #tpu.memory_space<vmem>> -> memref<80x128xbf16, #tpu.memory_space<vmem>>
      tpu.enqueue_dma source(%dma_start3A_74 : memref<80x128xbf16, #tpu.memory_space<vmem>>) target(%dma_start3A_70 : memref<80x128xbf16, #tpu.memory_space<vmem_shared>>) target_semaphore(%run_scoped3A_63 : memref<!tpu.dma_semaphore, #tpu.memory_space<semaphore_mem>>)
      %dma_wait3A = arith.constant 0 : i32
      %dma_wait3A_75 = arith.constant 0 : i32
      %dma_wait3A_76 = tpu.memref_slice %arg9[%run_scoped3A, %dma_wait3A, %dma_wait3A_75] : memref<5x80x128xbf16, #tpu.memory_space<vmem>> -> memref<1x80x128xbf16, #tpu.memory_space<vmem>>
      %dma_wait3A_77 = tpu.memref_squeeze %dma_wait3A_76 : memref<1x80x128xbf16, #tpu.memory_space<vmem>> -> memref<80x128xbf16, #tpu.memory_space<vmem>>
      %dma_wait3A_78 = arith.constant 0 : i32
      %dma_wait3A_79 = tpu.memref_slice %arg12[%add3A_20, %dma_wait3A_78] : memref<10000x128xbf16, #tpu.memory_space<vmem_shared>> -> memref<80x128xbf16, #tpu.memory_space<vmem_shared>>
      %dma_wait3A_80 = arith.constant 0 : i32
      %dma_wait3A_81 = tpu.memref_slice %arg12[%add3A_20, %dma_wait3A_80] : memref<10000x128xbf16, #tpu.memory_space<vmem_shared>> -> memref<80x128xbf16, #tpu.memory_space<vmem_shared>>
      %dma_wait3A_82 = arith.constant 0 : i32
      %dma_wait3A_83 = arith.constant 0 : i32
      %dma_wait3A_84 = tpu.memref_slice %arg9[%run_scoped3A, %dma_wait3A_82, %dma_wait3A_83] : memref<5x80x128xbf16, #tpu.memory_space<vmem>> -> memref<1x80x128xbf16, #tpu.memory_space<vmem>>
      %dma_wait3A_85 = tpu.memref_squeeze %dma_wait3A_84 : memref<1x80x128xbf16, #tpu.memory_space<vmem>> -> memref<80x128xbf16, #tpu.memory_space<vmem>>
      tpu.wait_dma2 semaphore(%run_scoped3A_63 : memref<!tpu.dma_semaphore, #tpu.memory_space<semaphore_mem>>) src(%dma_wait3A_85 : memref<80x128xbf16, #tpu.memory_space<vmem>>) dst(%dma_wait3A_81 : memref<80x128xbf16, #tpu.memory_space<vmem_shared>>)
      tpu.yield
    }) : () -> ()
    %add3A_21 = arith.constant 0 : i32
    %add3A_22 = arith.addi %mul3A_18, %add3A_21 : i32
    "tpu.region"() ({
      %run_scoped3A_63 = tpu.sem_alloc : memref<!tpu.dma_semaphore, #tpu.memory_space<semaphore_mem>>
      %dma_start3A = arith.constant 0 : i32
      %dma_start3A_64 = tpu.memref_slice %arg13[%add3A_22, %dma_start3A] : memref<10000x16xf32, #tpu.memory_space<vmem_shared>> -> memref<80x16xf32, #tpu.memory_space<vmem_shared>>
      %dma_start3A_65 = arith.constant 0 : i32
      %dma_start3A_66 = tpu.memref_slice %arg13[%add3A_22, %dma_start3A_65] : memref<10000x16xf32, #tpu.memory_space<vmem_shared>> -> memref<80x16xf32, #tpu.memory_space<vmem_shared>>
      tpu.enqueue_dma source(%arg11 : memref<80x16xf32, #tpu.memory_space<vmem>>) target(%dma_start3A_66 : memref<80x16xf32, #tpu.memory_space<vmem_shared>>) target_semaphore(%run_scoped3A_63 : memref<!tpu.dma_semaphore, #tpu.memory_space<semaphore_mem>>)
      %dma_wait3A = arith.constant 0 : i32
      %dma_wait3A_67 = tpu.memref_slice %arg13[%add3A_22, %dma_wait3A] : memref<10000x16xf32, #tpu.memory_space<vmem_shared>> -> memref<80x16xf32, #tpu.memory_space<vmem_shared>>
      %dma_wait3A_68 = arith.constant 0 : i32
      %dma_wait3A_69 = tpu.memref_slice %arg13[%add3A_22, %dma_wait3A_68] : memref<10000x16xf32, #tpu.memory_space<vmem_shared>> -> memref<80x16xf32, #tpu.memory_space<vmem_shared>>
      tpu.wait_dma2 semaphore(%run_scoped3A_63 : memref<!tpu.dma_semaphore, #tpu.memory_space<semaphore_mem>>) src(%arg11 : memref<80x16xf32, #tpu.memory_space<vmem>>) dst(%dma_wait3A_69 : memref<80x16xf32, #tpu.memory_space<vmem_shared>>)
      tpu.yield
    }) : () -> ()
    %add3A_23 = arith.constant 80 : i32
    %add3A_24 = arith.addi %mul3A_18, %add3A_23 : i32
    %run_scoped3A_25 = arith.constant 0 : i32
    "tpu.region"() ({
      %run_scoped3A_63 = tpu.sem_alloc : memref<!tpu.dma_semaphore, #tpu.memory_space<semaphore_mem>>
      %dma_start3A = arith.constant 0 : i32
      %dma_start3A_64 = arith.constant 0 : i32
      %dma_start3A_65 = tpu.memref_slice %arg9[%run_scoped3A_25, %dma_start3A, %dma_start3A_64] : memref<5x80x128xbf16, #tpu.memory_space<vmem>> -> memref<1x80x128xbf16, #tpu.memory_space<vmem>>
      %dma_start3A_66 = tpu.memref_squeeze %dma_start3A_65 : memref<1x80x128xbf16, #tpu.memory_space<vmem>> -> memref<80x128xbf16, #tpu.memory_space<vmem>>
      %dma_start3A_67 = arith.constant 0 : i32
      %dma_start3A_68 = tpu.memref_slice %arg12[%add3A_24, %dma_start3A_67] : memref<10000x128xbf16, #tpu.memory_space<vmem_shared>> -> memref<80x128xbf16, #tpu.memory_space<vmem_shared>>
      %dma_start3A_69 = arith.constant 0 : i32
      %dma_start3A_70 = tpu.memref_slice %arg12[%add3A_24, %dma_start3A_69] : memref<10000x128xbf16, #tpu.memory_space<vmem_shared>> -> memref<80x128xbf16, #tpu.memory_space<vmem_shared>>
      %dma_start3A_71 = arith.constant 0 : i32
      %dma_start3A_72 = arith.constant 0 : i32
      %dma_start3A_73 = tpu.memref_slice %arg9[%run_scoped3A_25, %dma_start3A_71, %dma_start3A_72] : memref<5x80x128xbf16, #tpu.memory_space<vmem>> -> memref<1x80x128xbf16, #tpu.memory_space<vmem>>
      %dma_start3A_74 = tpu.memref_squeeze %dma_start3A_73 : memref<1x80x128xbf16, #tpu.memory_space<vmem>> -> memref<80x128xbf16, #tpu.memory_space<vmem>>
      tpu.enqueue_dma source(%dma_start3A_74 : memref<80x128xbf16, #tpu.memory_space<vmem>>) target(%dma_start3A_70 : memref<80x128xbf16, #tpu.memory_space<vmem_shared>>) target_semaphore(%run_scoped3A_63 : memref<!tpu.dma_semaphore, #tpu.memory_space<semaphore_mem>>)
      %dma_wait3A = arith.constant 0 : i32
      %dma_wait3A_75 = arith.constant 0 : i32
      %dma_wait3A_76 = tpu.memref_slice %arg9[%run_scoped3A_25, %dma_wait3A, %dma_wait3A_75] : memref<5x80x128xbf16, #tpu.memory_space<vmem>> -> memref<1x80x128xbf16, #tpu.memory_space<vmem>>
      %dma_wait3A_77 = tpu.memref_squeeze %dma_wait3A_76 : memref<1x80x128xbf16, #tpu.memory_space<vmem>> -> memref<80x128xbf16, #tpu.memory_space<vmem>>
      %dma_wait3A_78 = arith.constant 0 : i32
      %dma_wait3A_79 = tpu.memref_slice %arg12[%add3A_24, %dma_wait3A_78] : memref<10000x128xbf16, #tpu.memory_space<vmem_shared>> -> memref<80x128xbf16, #tpu.memory_space<vmem_shared>>
      %dma_wait3A_80 = arith.constant 0 : i32
      %dma_wait3A_81 = tpu.memref_slice %arg12[%add3A_24, %dma_wait3A_80] : memref<10000x128xbf16, #tpu.memory_space<vmem_shared>> -> memref<80x128xbf16, #tpu.memory_space<vmem_shared>>
      %dma_wait3A_82 = arith.constant 0 : i32
      %dma_wait3A_83 = arith.constant 0 : i32
      %dma_wait3A_84 = tpu.memref_slice %arg9[%run_scoped3A_25, %dma_wait3A_82, %dma_wait3A_83] : memref<5x80x128xbf16, #tpu.memory_space<vmem>> -> memref<1x80x128xbf16, #tpu.memory_space<vmem>>
      %dma_wait3A_85 = tpu.memref_squeeze %dma_wait3A_84 : memref<1x80x128xbf16, #tpu.memory_space<vmem>> -> memref<80x128xbf16, #tpu.memory_space<vmem>>
      tpu.wait_dma2 semaphore(%run_scoped3A_63 : memref<!tpu.dma_semaphore, #tpu.memory_space<semaphore_mem>>) src(%dma_wait3A_85 : memref<80x128xbf16, #tpu.memory_space<vmem>>) dst(%dma_wait3A_81 : memref<80x128xbf16, #tpu.memory_space<vmem_shared>>)
      tpu.yield
    }) : () -> ()
    %add3A_26 = arith.constant 80 : i32
    %add3A_27 = arith.addi %mul3A_18, %add3A_26 : i32
    "tpu.region"() ({
      %run_scoped3A_63 = tpu.sem_alloc : memref<!tpu.dma_semaphore, #tpu.memory_space<semaphore_mem>>
      %dma_start3A = arith.constant 0 : i32
      %dma_start3A_64 = tpu.memref_slice %arg13[%add3A_27, %dma_start3A] : memref<10000x16xf32, #tpu.memory_space<vmem_shared>> -> memref<80x16xf32, #tpu.memory_space<vmem_shared>>
      %dma_start3A_65 = arith.constant 0 : i32
      %dma_start3A_66 = tpu.memref_slice %arg13[%add3A_27, %dma_start3A_65] : memref<10000x16xf32, #tpu.memory_space<vmem_shared>> -> memref<80x16xf32, #tpu.memory_space<vmem_shared>>
      tpu.enqueue_dma source(%arg11 : memref<80x16xf32, #tpu.memory_space<vmem>>) target(%dma_start3A_66 : memref<80x16xf32, #tpu.memory_space<vmem_shared>>) target_semaphore(%run_scoped3A_63 : memref<!tpu.dma_semaphore, #tpu.memory_space<semaphore_mem>>)
      %dma_wait3A = arith.constant 0 : i32
      %dma_wait3A_67 = tpu.memref_slice %arg13[%add3A_27, %dma_wait3A] : memref<10000x16xf32, #tpu.memory_space<vmem_shared>> -> memref<80x16xf32, #tpu.memory_space<vmem_shared>>
      %dma_wait3A_68 = arith.constant 0 : i32
      %dma_wait3A_69 = tpu.memref_slice %arg13[%add3A_27, %dma_wait3A_68] : memref<10000x16xf32, #tpu.memory_space<vmem_shared>> -> memref<80x16xf32, #tpu.memory_space<vmem_shared>>
      tpu.wait_dma2 semaphore(%run_scoped3A_63 : memref<!tpu.dma_semaphore, #tpu.memory_space<semaphore_mem>>) src(%arg11 : memref<80x16xf32, #tpu.memory_space<vmem>>) dst(%dma_wait3A_69 : memref<80x16xf32, #tpu.memory_space<vmem_shared>>)
      tpu.yield
    }) : () -> ()
    %add3A_28 = arith.constant 160 : i32
    %add3A_29 = arith.addi %mul3A_18, %add3A_28 : i32
    %run_scoped3A_30 = arith.constant 0 : i32
    "tpu.region"() ({
      %run_scoped3A_63 = tpu.sem_alloc : memref<!tpu.dma_semaphore, #tpu.memory_space<semaphore_mem>>
      %dma_start3A = arith.constant 0 : i32
      %dma_start3A_64 = arith.constant 0 : i32
      %dma_start3A_65 = tpu.memref_slice %arg9[%run_scoped3A_30, %dma_start3A, %dma_start3A_64] : memref<5x80x128xbf16, #tpu.memory_space<vmem>> -> memref<1x80x128xbf16, #tpu.memory_space<vmem>>
      %dma_start3A_66 = tpu.memref_squeeze %dma_start3A_65 : memref<1x80x128xbf16, #tpu.memory_space<vmem>> -> memref<80x128xbf16, #tpu.memory_space<vmem>>
      %dma_start3A_67 = arith.constant 0 : i32
      %dma_start3A_68 = tpu.memref_slice %arg12[%add3A_29, %dma_start3A_67] : memref<10000x128xbf16, #tpu.memory_space<vmem_shared>> -> memref<80x128xbf16, #tpu.memory_space<vmem_shared>>
      %dma_start3A_69 = arith.constant 0 : i32
      %dma_start3A_70 = tpu.memref_slice %arg12[%add3A_29, %dma_start3A_69] : memref<10000x128xbf16, #tpu.memory_space<vmem_shared>> -> memref<80x128xbf16, #tpu.memory_space<vmem_shared>>
      %dma_start3A_71 = arith.constant 0 : i32
      %dma_start3A_72 = arith.constant 0 : i32
      %dma_start3A_73 = tpu.memref_slice %arg9[%run_scoped3A_30, %dma_start3A_71, %dma_start3A_72] : memref<5x80x128xbf16, #tpu.memory_space<vmem>> -> memref<1x80x128xbf16, #tpu.memory_space<vmem>>
      %dma_start3A_74 = tpu.memref_squeeze %dma_start3A_73 : memref<1x80x128xbf16, #tpu.memory_space<vmem>> -> memref<80x128xbf16, #tpu.memory_space<vmem>>
      tpu.enqueue_dma source(%dma_start3A_74 : memref<80x128xbf16, #tpu.memory_space<vmem>>) target(%dma_start3A_70 : memref<80x128xbf16, #tpu.memory_space<vmem_shared>>) target_semaphore(%run_scoped3A_63 : memref<!tpu.dma_semaphore, #tpu.memory_space<semaphore_mem>>)
      %dma_wait3A = arith.constant 0 : i32
      %dma_wait3A_75 = arith.constant 0 : i32
      %dma_wait3A_76 = tpu.memref_slice %arg9[%run_scoped3A_30, %dma_wait3A, %dma_wait3A_75] : memref<5x80x128xbf16, #tpu.memory_space<vmem>> -> memref<1x80x128xbf16, #tpu.memory_space<vmem>>
      %dma_wait3A_77 = tpu.memref_squeeze %dma_wait3A_76 : memref<1x80x128xbf16, #tpu.memory_space<vmem>> -> memref<80x128xbf16, #tpu.memory_space<vmem>>
      %dma_wait3A_78 = arith.constant 0 : i32
      %dma_wait3A_79 = tpu.memref_slice %arg12[%add3A_29, %dma_wait3A_78] : memref<10000x128xbf16, #tpu.memory_space<vmem_shared>> -> memref<80x128xbf16, #tpu.memory_space<vmem_shared>>
      %dma_wait3A_80 = arith.constant 0 : i32
      %dma_wait3A_81 = tpu.memref_slice %arg12[%add3A_29, %dma_wait3A_80] : memref<10000x128xbf16, #tpu.memory_space<vmem_shared>> -> memref<80x128xbf16, #tpu.memory_space<vmem_shared>>
      %dma_wait3A_82 = arith.constant 0 : i32
      %dma_wait3A_83 = arith.constant 0 : i32
      %dma_wait3A_84 = tpu.memref_slice %arg9[%run_scoped3A_30, %dma_wait3A_82, %dma_wait3A_83] : memref<5x80x128xbf16, #tpu.memory_space<vmem>> -> memref<1x80x128xbf16, #tpu.memory_space<vmem>>
      %dma_wait3A_85 = tpu.memref_squeeze %dma_wait3A_84 : memref<1x80x128xbf16, #tpu.memory_space<vmem>> -> memref<80x128xbf16, #tpu.memory_space<vmem>>
      tpu.wait_dma2 semaphore(%run_scoped3A_63 : memref<!tpu.dma_semaphore, #tpu.memory_space<semaphore_mem>>) src(%dma_wait3A_85 : memref<80x128xbf16, #tpu.memory_space<vmem>>) dst(%dma_wait3A_81 : memref<80x128xbf16, #tpu.memory_space<vmem_shared>>)
      tpu.yield
    }) : () -> ()
    %add3A_31 = arith.constant 160 : i32
    %add3A_32 = arith.addi %mul3A_18, %add3A_31 : i32
    "tpu.region"() ({
      %run_scoped3A_63 = tpu.sem_alloc : memref<!tpu.dma_semaphore, #tpu.memory_space<semaphore_mem>>
      %dma_start3A = arith.constant 0 : i32
      %dma_start3A_64 = tpu.memref_slice %arg13[%add3A_32, %dma_start3A] : memref<10000x16xf32, #tpu.memory_space<vmem_shared>> -> memref<80x16xf32, #tpu.memory_space<vmem_shared>>
      %dma_start3A_65 = arith.constant 0 : i32
      %dma_start3A_66 = tpu.memref_slice %arg13[%add3A_32, %dma_start3A_65] : memref<10000x16xf32, #tpu.memory_space<vmem_shared>> -> memref<80x16xf32, #tpu.memory_space<vmem_shared>>
      tpu.enqueue_dma source(%arg11 : memref<80x16xf32, #tpu.memory_space<vmem>>) target(%dma_start3A_66 : memref<80x16xf32, #tpu.memory_space<vmem_shared>>) target_semaphore(%run_scoped3A_63 : memref<!tpu.dma_semaphore, #tpu.memory_space<semaphore_mem>>)
      %dma_wait3A = arith.constant 0 : i32
      %dma_wait3A_67 = tpu.memref_slice %arg13[%add3A_32, %dma_wait3A] : memref<10000x16xf32, #tpu.memory_space<vmem_shared>> -> memref<80x16xf32, #tpu.memory_space<vmem_shared>>
      %dma_wait3A_68 = arith.constant 0 : i32
      %dma_wait3A_69 = tpu.memref_slice %arg13[%add3A_32, %dma_wait3A_68] : memref<10000x16xf32, #tpu.memory_space<vmem_shared>> -> memref<80x16xf32, #tpu.memory_space<vmem_shared>>
      tpu.wait_dma2 semaphore(%run_scoped3A_63 : memref<!tpu.dma_semaphore, #tpu.memory_space<semaphore_mem>>) src(%arg11 : memref<80x16xf32, #tpu.memory_space<vmem>>) dst(%dma_wait3A_69 : memref<80x16xf32, #tpu.memory_space<vmem_shared>>)
      tpu.yield
    }) : () -> ()
    %add3A_33 = arith.constant 240 : i32
    %add3A_34 = arith.addi %mul3A_18, %add3A_33 : i32
    %run_scoped3A_35 = arith.constant 0 : i32
    "tpu.region"() ({
      %run_scoped3A_63 = tpu.sem_alloc : memref<!tpu.dma_semaphore, #tpu.memory_space<semaphore_mem>>
      %dma_start3A = arith.constant 0 : i32
      %dma_start3A_64 = arith.constant 0 : i32
      %dma_start3A_65 = tpu.memref_slice %arg9[%run_scoped3A_35, %dma_start3A, %dma_start3A_64] : memref<5x80x128xbf16, #tpu.memory_space<vmem>> -> memref<1x80x128xbf16, #tpu.memory_space<vmem>>
      %dma_start3A_66 = tpu.memref_squeeze %dma_start3A_65 : memref<1x80x128xbf16, #tpu.memory_space<vmem>> -> memref<80x128xbf16, #tpu.memory_space<vmem>>
      %dma_start3A_67 = arith.constant 0 : i32
      %dma_start3A_68 = tpu.memref_slice %arg12[%add3A_34, %dma_start3A_67] : memref<10000x128xbf16, #tpu.memory_space<vmem_shared>> -> memref<80x128xbf16, #tpu.memory_space<vmem_shared>>
      %dma_start3A_69 = arith.constant 0 : i32
      %dma_start3A_70 = tpu.memref_slice %arg12[%add3A_34, %dma_start3A_69] : memref<10000x128xbf16, #tpu.memory_space<vmem_shared>> -> memref<80x128xbf16, #tpu.memory_space<vmem_shared>>
      %dma_start3A_71 = arith.constant 0 : i32
      %dma_start3A_72 = arith.constant 0 : i32
      %dma_start3A_73 = tpu.memref_slice %arg9[%run_scoped3A_35, %dma_start3A_71, %dma_start3A_72] : memref<5x80x128xbf16, #tpu.memory_space<vmem>> -> memref<1x80x128xbf16, #tpu.memory_space<vmem>>
      %dma_start3A_74 = tpu.memref_squeeze %dma_start3A_73 : memref<1x80x128xbf16, #tpu.memory_space<vmem>> -> memref<80x128xbf16, #tpu.memory_space<vmem>>
      tpu.enqueue_dma source(%dma_start3A_74 : memref<80x128xbf16, #tpu.memory_space<vmem>>) target(%dma_start3A_70 : memref<80x128xbf16, #tpu.memory_space<vmem_shared>>) target_semaphore(%run_scoped3A_63 : memref<!tpu.dma_semaphore, #tpu.memory_space<semaphore_mem>>)
      %dma_wait3A = arith.constant 0 : i32
      %dma_wait3A_75 = arith.constant 0 : i32
      %dma_wait3A_76 = tpu.memref_slice %arg9[%run_scoped3A_35, %dma_wait3A, %dma_wait3A_75] : memref<5x80x128xbf16, #tpu.memory_space<vmem>> -> memref<1x80x128xbf16, #tpu.memory_space<vmem>>
      %dma_wait3A_77 = tpu.memref_squeeze %dma_wait3A_76 : memref<1x80x128xbf16, #tpu.memory_space<vmem>> -> memref<80x128xbf16, #tpu.memory_space<vmem>>
      %dma_wait3A_78 = arith.constant 0 : i32
      %dma_wait3A_79 = tpu.memref_slice %arg12[%add3A_34, %dma_wait3A_78] : memref<10000x128xbf16, #tpu.memory_space<vmem_shared>> -> memref<80x128xbf16, #tpu.memory_space<vmem_shared>>
      %dma_wait3A_80 = arith.constant 0 : i32
      %dma_wait3A_81 = tpu.memref_slice %arg12[%add3A_34, %dma_wait3A_80] : memref<10000x128xbf16, #tpu.memory_space<vmem_shared>> -> memref<80x128xbf16, #tpu.memory_space<vmem_shared>>
      %dma_wait3A_82 = arith.constant 0 : i32
      %dma_wait3A_83 = arith.constant 0 : i32
      %dma_wait3A_84 = tpu.memref_slice %arg9[%run_scoped3A_35, %dma_wait3A_82, %dma_wait3A_83] : memref<5x80x128xbf16, #tpu.memory_space<vmem>> -> memref<1x80x128xbf16, #tpu.memory_space<vmem>>
      %dma_wait3A_85 = tpu.memref_squeeze %dma_wait3A_84 : memref<1x80x128xbf16, #tpu.memory_space<vmem>> -> memref<80x128xbf16, #tpu.memory_space<vmem>>
      tpu.wait_dma2 semaphore(%run_scoped3A_63 : memref<!tpu.dma_semaphore, #tpu.memory_space<semaphore_mem>>) src(%dma_wait3A_85 : memref<80x128xbf16, #tpu.memory_space<vmem>>) dst(%dma_wait3A_81 : memref<80x128xbf16, #tpu.memory_space<vmem_shared>>)
      tpu.yield
    }) : () -> ()
    %add3A_36 = arith.constant 240 : i32
    %add3A_37 = arith.addi %mul3A_18, %add3A_36 : i32
    "tpu.region"() ({
      %run_scoped3A_63 = tpu.sem_alloc : memref<!tpu.dma_semaphore, #tpu.memory_space<semaphore_mem>>
      %dma_start3A = arith.constant 0 : i32
      %dma_start3A_64 = tpu.memref_slice %arg13[%add3A_37, %dma_start3A] : memref<10000x16xf32, #tpu.memory_space<vmem_shared>> -> memref<80x16xf32, #tpu.memory_space<vmem_shared>>
      %dma_start3A_65 = arith.constant 0 : i32
      %dma_start3A_66 = tpu.memref_slice %arg13[%add3A_37, %dma_start3A_65] : memref<10000x16xf32, #tpu.memory_space<vmem_shared>> -> memref<80x16xf32, #tpu.memory_space<vmem_shared>>
      tpu.enqueue_dma source(%arg11 : memref<80x16xf32, #tpu.memory_space<vmem>>) target(%dma_start3A_66 : memref<80x16xf32, #tpu.memory_space<vmem_shared>>) target_semaphore(%run_scoped3A_63 : memref<!tpu.dma_semaphore, #tpu.memory_space<semaphore_mem>>)
      %dma_wait3A = arith.constant 0 : i32
      %dma_wait3A_67 = tpu.memref_slice %arg13[%add3A_37, %dma_wait3A] : memref<10000x16xf32, #tpu.memory_space<vmem_shared>> -> memref<80x16xf32, #tpu.memory_space<vmem_shared>>
      %dma_wait3A_68 = arith.constant 0 : i32
      %dma_wait3A_69 = tpu.memref_slice %arg13[%add3A_37, %dma_wait3A_68] : memref<10000x16xf32, #tpu.memory_space<vmem_shared>> -> memref<80x16xf32, #tpu.memory_space<vmem_shared>>
      tpu.wait_dma2 semaphore(%run_scoped3A_63 : memref<!tpu.dma_semaphore, #tpu.memory_space<semaphore_mem>>) src(%arg11 : memref<80x16xf32, #tpu.memory_space<vmem>>) dst(%dma_wait3A_69 : memref<80x16xf32, #tpu.memory_space<vmem_shared>>)
      tpu.yield
    }) : () -> ()
    %add3A_38 = arith.constant 320 : i32
    %add3A_39 = arith.addi %mul3A_18, %add3A_38 : i32
    %run_scoped3A_40 = arith.constant 0 : i32
    "tpu.region"() ({
      %run_scoped3A_63 = tpu.sem_alloc : memref<!tpu.dma_semaphore, #tpu.memory_space<semaphore_mem>>
      %dma_start3A = arith.constant 0 : i32
      %dma_start3A_64 = arith.constant 0 : i32
      %dma_start3A_65 = tpu.memref_slice %arg9[%run_scoped3A_40, %dma_start3A, %dma_start3A_64] : memref<5x80x128xbf16, #tpu.memory_space<vmem>> -> memref<1x80x128xbf16, #tpu.memory_space<vmem>>
      %dma_start3A_66 = tpu.memref_squeeze %dma_start3A_65 : memref<1x80x128xbf16, #tpu.memory_space<vmem>> -> memref<80x128xbf16, #tpu.memory_space<vmem>>
      %dma_start3A_67 = arith.constant 0 : i32
      %dma_start3A_68 = tpu.memref_slice %arg12[%add3A_39, %dma_start3A_67] : memref<10000x128xbf16, #tpu.memory_space<vmem_shared>> -> memref<80x128xbf16, #tpu.memory_space<vmem_shared>>
      %dma_start3A_69 = arith.constant 0 : i32
      %dma_start3A_70 = tpu.memref_slice %arg12[%add3A_39, %dma_start3A_69] : memref<10000x128xbf16, #tpu.memory_space<vmem_shared>> -> memref<80x128xbf16, #tpu.memory_space<vmem_shared>>
      %dma_start3A_71 = arith.constant 0 : i32
      %dma_start3A_72 = arith.constant 0 : i32
      %dma_start3A_73 = tpu.memref_slice %arg9[%run_scoped3A_40, %dma_start3A_71, %dma_start3A_72] : memref<5x80x128xbf16, #tpu.memory_space<vmem>> -> memref<1x80x128xbf16, #tpu.memory_space<vmem>>
      %dma_start3A_74 = tpu.memref_squeeze %dma_start3A_73 : memref<1x80x128xbf16, #tpu.memory_space<vmem>> -> memref<80x128xbf16, #tpu.memory_space<vmem>>
      tpu.enqueue_dma source(%dma_start3A_74 : memref<80x128xbf16, #tpu.memory_space<vmem>>) target(%dma_start3A_70 : memref<80x128xbf16, #tpu.memory_space<vmem_shared>>) target_semaphore(%run_scoped3A_63 : memref<!tpu.dma_semaphore, #tpu.memory_space<semaphore_mem>>)
      %dma_wait3A = arith.constant 0 : i32
      %dma_wait3A_75 = arith.constant 0 : i32
      %dma_wait3A_76 = tpu.memref_slice %arg9[%run_scoped3A_40, %dma_wait3A, %dma_wait3A_75] : memref<5x80x128xbf16, #tpu.memory_space<vmem>> -> memref<1x80x128xbf16, #tpu.memory_space<vmem>>
      %dma_wait3A_77 = tpu.memref_squeeze %dma_wait3A_76 : memref<1x80x128xbf16, #tpu.memory_space<vmem>> -> memref<80x128xbf16, #tpu.memory_space<vmem>>
      %dma_wait3A_78 = arith.constant 0 : i32
      %dma_wait3A_79 = tpu.memref_slice %arg12[%add3A_39, %dma_wait3A_78] : memref<10000x128xbf16, #tpu.memory_space<vmem_shared>> -> memref<80x128xbf16, #tpu.memory_space<vmem_shared>>
      %dma_wait3A_80 = arith.constant 0 : i32
      %dma_wait3A_81 = tpu.memref_slice %arg12[%add3A_39, %dma_wait3A_80] : memref<10000x128xbf16, #tpu.memory_space<vmem_shared>> -> memref<80x128xbf16, #tpu.memory_space<vmem_shared>>
      %dma_wait3A_82 = arith.constant 0 : i32
      %dma_wait3A_83 = arith.constant 0 : i32
      %dma_wait3A_84 = tpu.memref_slice %arg9[%run_scoped3A_40, %dma_wait3A_82, %dma_wait3A_83] : memref<5x80x128xbf16, #tpu.memory_space<vmem>> -> memref<1x80x128xbf16, #tpu.memory_space<vmem>>
      %dma_wait3A_85 = tpu.memref_squeeze %dma_wait3A_84 : memref<1x80x128xbf16, #tpu.memory_space<vmem>> -> memref<80x128xbf16, #tpu.memory_space<vmem>>
      tpu.wait_dma2 semaphore(%run_scoped3A_63 : memref<!tpu.dma_semaphore, #tpu.memory_space<semaphore_mem>>) src(%dma_wait3A_85 : memref<80x128xbf16, #tpu.memory_space<vmem>>) dst(%dma_wait3A_81 : memref<80x128xbf16, #tpu.memory_space<vmem_shared>>)
      tpu.yield
    }) : () -> ()
    %add3A_41 = arith.constant 320 : i32
    %add3A_42 = arith.addi %mul3A_18, %add3A_41 : i32
    "tpu.region"() ({
      %run_scoped3A_63 = tpu.sem_alloc : memref<!tpu.dma_semaphore, #tpu.memory_space<semaphore_mem>>
      %dma_start3A = arith.constant 0 : i32
      %dma_start3A_64 = tpu.memref_slice %arg13[%add3A_42, %dma_start3A] : memref<10000x16xf32, #tpu.memory_space<vmem_shared>> -> memref<80x16xf32, #tpu.memory_space<vmem_shared>>
      %dma_start3A_65 = arith.constant 0 : i32
      %dma_start3A_66 = tpu.memref_slice %arg13[%add3A_42, %dma_start3A_65] : memref<10000x16xf32, #tpu.memory_space<vmem_shared>> -> memref<80x16xf32, #tpu.memory_space<vmem_shared>>
      tpu.enqueue_dma source(%arg11 : memref<80x16xf32, #tpu.memory_space<vmem>>) target(%dma_start3A_66 : memref<80x16xf32, #tpu.memory_space<vmem_shared>>) target_semaphore(%run_scoped3A_63 : memref<!tpu.dma_semaphore, #tpu.memory_space<semaphore_mem>>)
      %dma_wait3A = arith.constant 0 : i32
      %dma_wait3A_67 = tpu.memref_slice %arg13[%add3A_42, %dma_wait3A] : memref<10000x16xf32, #tpu.memory_space<vmem_shared>> -> memref<80x16xf32, #tpu.memory_space<vmem_shared>>
      %dma_wait3A_68 = arith.constant 0 : i32
      %dma_wait3A_69 = tpu.memref_slice %arg13[%add3A_42, %dma_wait3A_68] : memref<10000x16xf32, #tpu.memory_space<vmem_shared>> -> memref<80x16xf32, #tpu.memory_space<vmem_shared>>
      tpu.wait_dma2 semaphore(%run_scoped3A_63 : memref<!tpu.dma_semaphore, #tpu.memory_space<semaphore_mem>>) src(%arg11 : memref<80x16xf32, #tpu.memory_space<vmem>>) dst(%dma_wait3A_69 : memref<80x16xf32, #tpu.memory_space<vmem_shared>>)
      tpu.yield
    }) : () -> ()
    %add3A_43 = arith.constant 400 : i32
    %add3A_44 = arith.addi %mul3A_18, %add3A_43 : i32
    %run_scoped3A_45 = arith.constant 0 : i32
    "tpu.region"() ({
      %run_scoped3A_63 = tpu.sem_alloc : memref<!tpu.dma_semaphore, #tpu.memory_space<semaphore_mem>>
      %dma_start3A = arith.constant 0 : i32
      %dma_start3A_64 = arith.constant 0 : i32
      %dma_start3A_65 = tpu.memref_slice %arg9[%run_scoped3A_45, %dma_start3A, %dma_start3A_64] : memref<5x80x128xbf16, #tpu.memory_space<vmem>> -> memref<1x80x128xbf16, #tpu.memory_space<vmem>>
      %dma_start3A_66 = tpu.memref_squeeze %dma_start3A_65 : memref<1x80x128xbf16, #tpu.memory_space<vmem>> -> memref<80x128xbf16, #tpu.memory_space<vmem>>
      %dma_start3A_67 = arith.constant 0 : i32
      %dma_start3A_68 = tpu.memref_slice %arg12[%add3A_44, %dma_start3A_67] : memref<10000x128xbf16, #tpu.memory_space<vmem_shared>> -> memref<80x128xbf16, #tpu.memory_space<vmem_shared>>
      %dma_start3A_69 = arith.constant 0 : i32
      %dma_start3A_70 = tpu.memref_slice %arg12[%add3A_44, %dma_start3A_69] : memref<10000x128xbf16, #tpu.memory_space<vmem_shared>> -> memref<80x128xbf16, #tpu.memory_space<vmem_shared>>
      %dma_start3A_71 = arith.constant 0 : i32
      %dma_start3A_72 = arith.constant 0 : i32
      %dma_start3A_73 = tpu.memref_slice %arg9[%run_scoped3A_45, %dma_start3A_71, %dma_start3A_72] : memref<5x80x128xbf16, #tpu.memory_space<vmem>> -> memref<1x80x128xbf16, #tpu.memory_space<vmem>>
      %dma_start3A_74 = tpu.memref_squeeze %dma_start3A_73 : memref<1x80x128xbf16, #tpu.memory_space<vmem>> -> memref<80x128xbf16, #tpu.memory_space<vmem>>
      tpu.enqueue_dma source(%dma_start3A_74 : memref<80x128xbf16, #tpu.memory_space<vmem>>) target(%dma_start3A_70 : memref<80x128xbf16, #tpu.memory_space<vmem_shared>>) target_semaphore(%run_scoped3A_63 : memref<!tpu.dma_semaphore, #tpu.memory_space<semaphore_mem>>)
      %dma_wait3A = arith.constant 0 : i32
      %dma_wait3A_75 = arith.constant 0 : i32
      %dma_wait3A_76 = tpu.memref_slice %arg9[%run_scoped3A_45, %dma_wait3A, %dma_wait3A_75] : memref<5x80x128xbf16, #tpu.memory_space<vmem>> -> memref<1x80x128xbf16, #tpu.memory_space<vmem>>
      %dma_wait3A_77 = tpu.memref_squeeze %dma_wait3A_76 : memref<1x80x128xbf16, #tpu.memory_space<vmem>> -> memref<80x128xbf16, #tpu.memory_space<vmem>>
      %dma_wait3A_78 = arith.constant 0 : i32
      %dma_wait3A_79 = tpu.memref_slice %arg12[%add3A_44, %dma_wait3A_78] : memref<10000x128xbf16, #tpu.memory_space<vmem_shared>> -> memref<80x128xbf16, #tpu.memory_space<vmem_shared>>
      %dma_wait3A_80 = arith.constant 0 : i32
      %dma_wait3A_81 = tpu.memref_slice %arg12[%add3A_44, %dma_wait3A_80] : memref<10000x128xbf16, #tpu.memory_space<vmem_shared>> -> memref<80x128xbf16, #tpu.memory_space<vmem_shared>>
      %dma_wait3A_82 = arith.constant 0 : i32
      %dma_wait3A_83 = arith.constant 0 : i32
      %dma_wait3A_84 = tpu.memref_slice %arg9[%run_scoped3A_45, %dma_wait3A_82, %dma_wait3A_83] : memref<5x80x128xbf16, #tpu.memory_space<vmem>> -> memref<1x80x128xbf16, #tpu.memory_space<vmem>>
      %dma_wait3A_85 = tpu.memref_squeeze %dma_wait3A_84 : memref<1x80x128xbf16, #tpu.memory_space<vmem>> -> memref<80x128xbf16, #tpu.memory_space<vmem>>
      tpu.wait_dma2 semaphore(%run_scoped3A_63 : memref<!tpu.dma_semaphore, #tpu.memory_space<semaphore_mem>>) src(%dma_wait3A_85 : memref<80x128xbf16, #tpu.memory_space<vmem>>) dst(%dma_wait3A_81 : memref<80x128xbf16, #tpu.memory_space<vmem_shared>>)
      tpu.yield
    }) : () -> ()
    %add3A_46 = arith.constant 400 : i32
    %add3A_47 = arith.addi %mul3A_18, %add3A_46 : i32
    "tpu.region"() ({
      %run_scoped3A_63 = tpu.sem_alloc : memref<!tpu.dma_semaphore, #tpu.memory_space<semaphore_mem>>
      %dma_start3A = arith.constant 0 : i32
      %dma_start3A_64 = tpu.memref_slice %arg13[%add3A_47, %dma_start3A] : memref<10000x16xf32, #tpu.memory_space<vmem_shared>> -> memref<80x16xf32, #tpu.memory_space<vmem_shared>>
      %dma_start3A_65 = arith.constant 0 : i32
      %dma_start3A_66 = tpu.memref_slice %arg13[%add3A_47, %dma_start3A_65] : memref<10000x16xf32, #tpu.memory_space<vmem_shared>> -> memref<80x16xf32, #tpu.memory_space<vmem_shared>>
      tpu.enqueue_dma source(%arg11 : memref<80x16xf32, #tpu.memory_space<vmem>>) target(%dma_start3A_66 : memref<80x16xf32, #tpu.memory_space<vmem_shared>>) target_semaphore(%run_scoped3A_63 : memref<!tpu.dma_semaphore, #tpu.memory_space<semaphore_mem>>)
      %dma_wait3A = arith.constant 0 : i32
      %dma_wait3A_67 = tpu.memref_slice %arg13[%add3A_47, %dma_wait3A] : memref<10000x16xf32, #tpu.memory_space<vmem_shared>> -> memref<80x16xf32, #tpu.memory_space<vmem_shared>>
      %dma_wait3A_68 = arith.constant 0 : i32
      %dma_wait3A_69 = tpu.memref_slice %arg13[%add3A_47, %dma_wait3A_68] : memref<10000x16xf32, #tpu.memory_space<vmem_shared>> -> memref<80x16xf32, #tpu.memory_space<vmem_shared>>
      tpu.wait_dma2 semaphore(%run_scoped3A_63 : memref<!tpu.dma_semaphore, #tpu.memory_space<semaphore_mem>>) src(%arg11 : memref<80x16xf32, #tpu.memory_space<vmem>>) dst(%dma_wait3A_69 : memref<80x16xf32, #tpu.memory_space<vmem_shared>>)
      tpu.yield
    }) : () -> ()
    %add3A_48 = arith.constant 480 : i32
    %add3A_49 = arith.addi %mul3A_18, %add3A_48 : i32
    %run_scoped3A_50 = arith.constant 0 : i32
    "tpu.region"() ({
      %run_scoped3A_63 = tpu.sem_alloc : memref<!tpu.dma_semaphore, #tpu.memory_space<semaphore_mem>>
      %dma_start3A = arith.constant 0 : i32
      %dma_start3A_64 = arith.constant 0 : i32
      %dma_start3A_65 = tpu.memref_slice %arg9[%run_scoped3A_50, %dma_start3A, %dma_start3A_64] : memref<5x80x128xbf16, #tpu.memory_space<vmem>> -> memref<1x80x128xbf16, #tpu.memory_space<vmem>>
      %dma_start3A_66 = tpu.memref_squeeze %dma_start3A_65 : memref<1x80x128xbf16, #tpu.memory_space<vmem>> -> memref<80x128xbf16, #tpu.memory_space<vmem>>
      %dma_start3A_67 = arith.constant 0 : i32
      %dma_start3A_68 = tpu.memref_slice %arg12[%add3A_49, %dma_start3A_67] : memref<10000x128xbf16, #tpu.memory_space<vmem_shared>> -> memref<80x128xbf16, #tpu.memory_space<vmem_shared>>
      %dma_start3A_69 = arith.constant 0 : i32
      %dma_start3A_70 = tpu.memref_slice %arg12[%add3A_49, %dma_start3A_69] : memref<10000x128xbf16, #tpu.memory_space<vmem_shared>> -> memref<80x128xbf16, #tpu.memory_space<vmem_shared>>
      %dma_start3A_71 = arith.constant 0 : i32
      %dma_start3A_72 = arith.constant 0 : i32
      %dma_start3A_73 = tpu.memref_slice %arg9[%run_scoped3A_50, %dma_start3A_71, %dma_start3A_72] : memref<5x80x128xbf16, #tpu.memory_space<vmem>> -> memref<1x80x128xbf16, #tpu.memory_space<vmem>>
      %dma_start3A_74 = tpu.memref_squeeze %dma_start3A_73 : memref<1x80x128xbf16, #tpu.memory_space<vmem>> -> memref<80x128xbf16, #tpu.memory_space<vmem>>
      tpu.enqueue_dma source(%dma_start3A_74 : memref<80x128xbf16, #tpu.memory_space<vmem>>) target(%dma_start3A_70 : memref<80x128xbf16, #tpu.memory_space<vmem_shared>>) target_semaphore(%run_scoped3A_63 : memref<!tpu.dma_semaphore, #tpu.memory_space<semaphore_mem>>)
      %dma_wait3A = arith.constant 0 : i32
      %dma_wait3A_75 = arith.constant 0 : i32
      %dma_wait3A_76 = tpu.memref_slice %arg9[%run_scoped3A_50, %dma_wait3A, %dma_wait3A_75] : memref<5x80x128xbf16, #tpu.memory_space<vmem>> -> memref<1x80x128xbf16, #tpu.memory_space<vmem>>
      %dma_wait3A_77 = tpu.memref_squeeze %dma_wait3A_76 : memref<1x80x128xbf16, #tpu.memory_space<vmem>> -> memref<80x128xbf16, #tpu.memory_space<vmem>>
      %dma_wait3A_78 = arith.constant 0 : i32
      %dma_wait3A_79 = tpu.memref_slice %arg12[%add3A_49, %dma_wait3A_78] : memref<10000x128xbf16, #tpu.memory_space<vmem_shared>> -> memref<80x128xbf16, #tpu.memory_space<vmem_shared>>
      %dma_wait3A_80 = arith.constant 0 : i32
      %dma_wait3A_81 = tpu.memref_slice %arg12[%add3A_49, %dma_wait3A_80] : memref<10000x128xbf16, #tpu.memory_space<vmem_shared>> -> memref<80x128xbf16, #tpu.memory_space<vmem_shared>>
      %dma_wait3A_82 = arith.constant 0 : i32
      %dma_wait3A_83 = arith.constant 0 : i32
      %dma_wait3A_84 = tpu.memref_slice %arg9[%run_scoped3A_50, %dma_wait3A_82, %dma_wait3A_83] : memref<5x80x128xbf16, #tpu.memory_space<vmem>> -> memref<1x80x128xbf16, #tpu.memory_space<vmem>>
      %dma_wait3A_85 = tpu.memref_squeeze %dma_wait3A_84 : memref<1x80x128xbf16, #tpu.memory_space<vmem>> -> memref<80x128xbf16, #tpu.memory_space<vmem>>
      tpu.wait_dma2 semaphore(%run_scoped3A_63 : memref<!tpu.dma_semaphore, #tpu.memory_space<semaphore_mem>>) src(%dma_wait3A_85 : memref<80x128xbf16, #tpu.memory_space<vmem>>) dst(%dma_wait3A_81 : memref<80x128xbf16, #tpu.memory_space<vmem_shared>>)
      tpu.yield
    }) : () -> ()
    %add3A_51 = arith.constant 480 : i32
    %add3A_52 = arith.addi %mul3A_18, %add3A_51 : i32
    "tpu.region"() ({
      %run_scoped3A_63 = tpu.sem_alloc : memref<!tpu.dma_semaphore, #tpu.memory_space<semaphore_mem>>
      %dma_start3A = arith.constant 0 : i32
      %dma_start3A_64 = tpu.memref_slice %arg13[%add3A_52, %dma_start3A] : memref<10000x16xf32, #tpu.memory_space<vmem_shared>> -> memref<80x16xf32, #tpu.memory_space<vmem_shared>>
      %dma_start3A_65 = arith.constant 0 : i32
      %dma_start3A_66 = tpu.memref_slice %arg13[%add3A_52, %dma_start3A_65] : memref<10000x16xf32, #tpu.memory_space<vmem_shared>> -> memref<80x16xf32, #tpu.memory_space<vmem_shared>>
      tpu.enqueue_dma source(%arg11 : memref<80x16xf32, #tpu.memory_space<vmem>>) target(%dma_start3A_66 : memref<80x16xf32, #tpu.memory_space<vmem_shared>>) target_semaphore(%run_scoped3A_63 : memref<!tpu.dma_semaphore, #tpu.memory_space<semaphore_mem>>)
      %dma_wait3A = arith.constant 0 : i32
      %dma_wait3A_67 = tpu.memref_slice %arg13[%add3A_52, %dma_wait3A] : memref<10000x16xf32, #tpu.memory_space<vmem_shared>> -> memref<80x16xf32, #tpu.memory_space<vmem_shared>>
      %dma_wait3A_68 = arith.constant 0 : i32
      %dma_wait3A_69 = tpu.memref_slice %arg13[%add3A_52, %dma_wait3A_68] : memref<10000x16xf32, #tpu.memory_space<vmem_shared>> -> memref<80x16xf32, #tpu.memory_space<vmem_shared>>
      tpu.wait_dma2 semaphore(%run_scoped3A_63 : memref<!tpu.dma_semaphore, #tpu.memory_space<semaphore_mem>>) src(%arg11 : memref<80x16xf32, #tpu.memory_space<vmem>>) dst(%dma_wait3A_69 : memref<80x16xf32, #tpu.memory_space<vmem_shared>>)
      tpu.yield
    }) : () -> ()
    %add3A_53 = arith.constant 560 : i32
    %add3A_54 = arith.addi %mul3A_18, %add3A_53 : i32
    %run_scoped3A_55 = arith.constant 0 : i32
    "tpu.region"() ({
      %run_scoped3A_63 = tpu.sem_alloc : memref<!tpu.dma_semaphore, #tpu.memory_space<semaphore_mem>>
      %dma_start3A = arith.constant 0 : i32
      %dma_start3A_64 = arith.constant 0 : i32
      %dma_start3A_65 = tpu.memref_slice %arg9[%run_scoped3A_55, %dma_start3A, %dma_start3A_64] : memref<5x80x128xbf16, #tpu.memory_space<vmem>> -> memref<1x80x128xbf16, #tpu.memory_space<vmem>>
      %dma_start3A_66 = tpu.memref_squeeze %dma_start3A_65 : memref<1x80x128xbf16, #tpu.memory_space<vmem>> -> memref<80x128xbf16, #tpu.memory_space<vmem>>
      %dma_start3A_67 = arith.constant 0 : i32
      %dma_start3A_68 = arith.constant 0 : i32
      %dma_start3A_69 = tpu.memref_slice %dma_start3A_66[%dma_start3A_67, %dma_start3A_68] : memref<80x128xbf16, #tpu.memory_space<vmem>> -> memref<65x128xbf16, #tpu.memory_space<vmem>>
      %dma_start3A_70 = arith.constant 0 : i32
      %dma_start3A_71 = tpu.memref_slice %arg12[%add3A_54, %dma_start3A_70] : memref<10000x128xbf16, #tpu.memory_space<vmem_shared>> -> memref<65x128xbf16, #tpu.memory_space<vmem_shared>>
      %dma_start3A_72 = arith.constant 0 : i32
      %dma_start3A_73 = tpu.memref_slice %arg12[%add3A_54, %dma_start3A_72] : memref<10000x128xbf16, #tpu.memory_space<vmem_shared>> -> memref<65x128xbf16, #tpu.memory_space<vmem_shared>>
      %dma_start3A_74 = arith.constant 0 : i32
      %dma_start3A_75 = arith.constant 0 : i32
      %dma_start3A_76 = tpu.memref_slice %arg9[%run_scoped3A_55, %dma_start3A_74, %dma_start3A_75] : memref<5x80x128xbf16, #tpu.memory_space<vmem>> -> memref<1x80x128xbf16, #tpu.memory_space<vmem>>
      %dma_start3A_77 = tpu.memref_squeeze %dma_start3A_76 : memref<1x80x128xbf16, #tpu.memory_space<vmem>> -> memref<80x128xbf16, #tpu.memory_space<vmem>>
      %dma_start3A_78 = arith.constant 0 : i32
      %dma_start3A_79 = arith.constant 0 : i32
      %dma_start3A_80 = tpu.memref_slice %dma_start3A_77[%dma_start3A_78, %dma_start3A_79] : memref<80x128xbf16, #tpu.memory_space<vmem>> -> memref<65x128xbf16, #tpu.memory_space<vmem>>
      tpu.enqueue_dma source(%dma_start3A_80 : memref<65x128xbf16, #tpu.memory_space<vmem>>) target(%dma_start3A_73 : memref<65x128xbf16, #tpu.memory_space<vmem_shared>>) target_semaphore(%run_scoped3A_63 : memref<!tpu.dma_semaphore, #tpu.memory_space<semaphore_mem>>)
      %dma_wait3A = arith.constant 0 : i32
      %dma_wait3A_81 = arith.constant 0 : i32
      %dma_wait3A_82 = tpu.memref_slice %arg9[%run_scoped3A_55, %dma_wait3A, %dma_wait3A_81] : memref<5x80x128xbf16, #tpu.memory_space<vmem>> -> memref<1x80x128xbf16, #tpu.memory_space<vmem>>
      %dma_wait3A_83 = tpu.memref_squeeze %dma_wait3A_82 : memref<1x80x128xbf16, #tpu.memory_space<vmem>> -> memref<80x128xbf16, #tpu.memory_space<vmem>>
      %dma_wait3A_84 = arith.constant 0 : i32
      %dma_wait3A_85 = arith.constant 0 : i32
      %dma_wait3A_86 = tpu.memref_slice %dma_wait3A_83[%dma_wait3A_84, %dma_wait3A_85] : memref<80x128xbf16, #tpu.memory_space<vmem>> -> memref<65x128xbf16, #tpu.memory_space<vmem>>
      %dma_wait3A_87 = arith.constant 0 : i32
      %dma_wait3A_88 = tpu.memref_slice %arg12[%add3A_54, %dma_wait3A_87] : memref<10000x128xbf16, #tpu.memory_space<vmem_shared>> -> memref<65x128xbf16, #tpu.memory_space<vmem_shared>>
      %dma_wait3A_89 = arith.constant 0 : i32
      %dma_wait3A_90 = tpu.memref_slice %arg12[%add3A_54, %dma_wait3A_89] : memref<10000x128xbf16, #tpu.memory_space<vmem_shared>> -> memref<65x128xbf16, #tpu.memory_space<vmem_shared>>
      %dma_wait3A_91 = arith.constant 0 : i32
      %dma_wait3A_92 = arith.constant 0 : i32
      %dma_wait3A_93 = tpu.memref_slice %arg9[%run_scoped3A_55, %dma_wait3A_91, %dma_wait3A_92] : memref<5x80x128xbf16, #tpu.memory_space<vmem>> -> memref<1x80x128xbf16, #tpu.memory_space<vmem>>
      %dma_wait3A_94 = tpu.memref_squeeze %dma_wait3A_93 : memref<1x80x128xbf16, #tpu.memory_space<vmem>> -> memref<80x128xbf16, #tpu.memory_space<vmem>>
      %dma_wait3A_95 = arith.constant 0 : i32
      %dma_wait3A_96 = arith.constant 0 : i32
      %dma_wait3A_97 = tpu.memref_slice %dma_wait3A_94[%dma_wait3A_95, %dma_wait3A_96] : memref<80x128xbf16, #tpu.memory_space<vmem>> -> memref<65x128xbf16, #tpu.memory_space<vmem>>
      tpu.wait_dma2 semaphore(%run_scoped3A_63 : memref<!tpu.dma_semaphore, #tpu.memory_space<semaphore_mem>>) src(%dma_wait3A_97 : memref<65x128xbf16, #tpu.memory_space<vmem>>) dst(%dma_wait3A_90 : memref<65x128xbf16, #tpu.memory_space<vmem_shared>>)
      tpu.yield
    }) : () -> ()
    "tpu.region"() ({
      %run_scoped3A_63 = tpu.sem_alloc : memref<!tpu.dma_semaphore, #tpu.memory_space<semaphore_mem>>
      %dma_start3A = arith.constant 0 : i32
      %dma_start3A_64 = arith.constant 0 : i32
      %dma_start3A_65 = tpu.memref_slice %arg11[%dma_start3A, %dma_start3A_64] : memref<80x16xf32, #tpu.memory_space<vmem>> -> memref<65x16xf32, #tpu.memory_space<vmem>>
      %dma_start3A_66 = arith.constant 0 : i32
      %dma_start3A_67 = tpu.memref_slice %arg13[%add3A_54, %dma_start3A_66] : memref<10000x16xf32, #tpu.memory_space<vmem_shared>> -> memref<65x16xf32, #tpu.memory_space<vmem_shared>>
      %dma_start3A_68 = arith.constant 0 : i32
      %dma_start3A_69 = tpu.memref_slice %arg13[%add3A_54, %dma_start3A_68] : memref<10000x16xf32, #tpu.memory_space<vmem_shared>> -> memref<65x16xf32, #tpu.memory_space<vmem_shared>>
      %dma_start3A_70 = arith.constant 0 : i32
      %dma_start3A_71 = arith.constant 0 : i32
      %dma_start3A_72 = tpu.memref_slice %arg11[%dma_start3A_70, %dma_start3A_71] : memref<80x16xf32, #tpu.memory_space<vmem>> -> memref<65x16xf32, #tpu.memory_space<vmem>>
      tpu.enqueue_dma source(%dma_start3A_72 : memref<65x16xf32, #tpu.memory_space<vmem>>) target(%dma_start3A_69 : memref<65x16xf32, #tpu.memory_space<vmem_shared>>) target_semaphore(%run_scoped3A_63 : memref<!tpu.dma_semaphore, #tpu.memory_space<semaphore_mem>>)
      %dma_wait3A = arith.constant 0 : i32
      %dma_wait3A_73 = arith.constant 0 : i32
      %dma_wait3A_74 = tpu.memref_slice %arg11[%dma_wait3A, %dma_wait3A_73] : memref<80x16xf32, #tpu.memory_space<vmem>> -> memref<65x16xf32, #tpu.memory_space<vmem>>
      %dma_wait3A_75 = arith.constant 0 : i32
      %dma_wait3A_76 = tpu.memref_slice %arg13[%add3A_54, %dma_wait3A_75] : memref<10000x16xf32, #tpu.memory_space<vmem_shared>> -> memref<65x16xf32, #tpu.memory_space<vmem_shared>>
      %dma_wait3A_77 = arith.constant 0 : i32
      %dma_wait3A_78 = tpu.memref_slice %arg13[%add3A_54, %dma_wait3A_77] : memref<10000x16xf32, #tpu.memory_space<vmem_shared>> -> memref<65x16xf32, #tpu.memory_space<vmem_shared>>
      %dma_wait3A_79 = arith.constant 0 : i32
      %dma_wait3A_80 = arith.constant 0 : i32
      %dma_wait3A_81 = tpu.memref_slice %arg11[%dma_wait3A_79, %dma_wait3A_80] : memref<80x16xf32, #tpu.memory_space<vmem>> -> memref<65x16xf32, #tpu.memory_space<vmem>>
      tpu.wait_dma2 semaphore(%run_scoped3A_63 : memref<!tpu.dma_semaphore, #tpu.memory_space<semaphore_mem>>) src(%dma_wait3A_81 : memref<65x16xf32, #tpu.memory_space<vmem>>) dst(%dma_wait3A_78 : memref<65x16xf32, #tpu.memory_space<vmem_shared>>)
      tpu.yield
    }) : () -> ()
    %barrier3A = arith.constant 0 : index
    tpu.barrier barrier_id(%barrier3A)
    %scan3A_56 = arith.constant 0 : i32
    %scan3A_57 = arith.constant 0 : i32
    %scan3A_58 = arith.constant 25 : i32
    %scan3A_59 = arith.addi %scan3A_57, %scan3A_58 : i32
    %scan3A_60 = arith.constant 1 : i32
    scf.for %scan3A_63 = %scan3A_57 to %scan3A_59 step %scan3A_60  : i32 {
      %mul3A_64 = arith.constant 5 : i32
      %mul3A_65 = arith.muli %scan3A_63, %mul3A_64 : i32
      %add3A_66 = arith.constant 0 : i32
      %add3A_67 = arith.addi %mul3A_65, %add3A_66 : i32
      %mul3A_68 = arith.constant 80 : i32
      %mul3A_69 = arith.muli %add3A_67, %mul3A_68 : i32
      %add3A_70 = arith.constant 1 : i32
      %add3A_71 = arith.addi %mul3A_65, %add3A_70 : i32
      %mul3A_72 = arith.constant 80 : i32
      %mul3A_73 = arith.muli %add3A_71, %mul3A_72 : i32
      %add3A_74 = arith.constant 2 : i32
      %add3A_75 = arith.addi %mul3A_65, %add3A_74 : i32
      %mul3A_76 = arith.constant 80 : i32
      %mul3A_77 = arith.muli %add3A_75, %mul3A_76 : i32
      %add3A_78 = arith.constant 3 : i32
      %add3A_79 = arith.addi %mul3A_65, %add3A_78 : i32
      %mul3A_80 = arith.constant 80 : i32
      %mul3A_81 = arith.muli %add3A_79, %mul3A_80 : i32
      %add3A_82 = arith.constant 4 : i32
      %add3A_83 = arith.addi %mul3A_65, %add3A_82 : i32
      %mul3A_84 = arith.constant 80 : i32
      %mul3A_85 = arith.muli %add3A_83, %mul3A_84 : i32
      %add3A_86 = arith.constant 0 : i32
      %add3A_87 = arith.addi %mul3A_65, %add3A_86 : i32
      %mul3A_88 = arith.constant 80 : i32
      %mul3A_89 = arith.muli %add3A_87, %mul3A_88 : i32
      %add3A_90 = arith.constant 1 : i32
      %add3A_91 = arith.addi %mul3A_65, %add3A_90 : i32
      %mul3A_92 = arith.constant 80 : i32
      %mul3A_93 = arith.muli %add3A_91, %mul3A_92 : i32
      %add3A_94 = arith.constant 2 : i32
      %add3A_95 = arith.addi %mul3A_65, %add3A_94 : i32
      %mul3A_96 = arith.constant 80 : i32
      %mul3A_97 = arith.muli %add3A_95, %mul3A_96 : i32
      %add3A_98 = arith.constant 3 : i32
      %add3A_99 = arith.addi %mul3A_65, %add3A_98 : i32
      %mul3A_100 = arith.constant 80 : i32
      %mul3A_101 = arith.muli %add3A_99, %mul3A_100 : i32
      %add3A_102 = arith.constant 4 : i32
      %add3A_103 = arith.addi %mul3A_65, %add3A_102 : i32
      %mul3A_104 = arith.constant 80 : i32
      %mul3A_105 = arith.muli %add3A_103, %mul3A_104 : i32
      %dma_start3A = arith.constant 0 : i32
      %dma_start3A_106 = arith.constant 0 : i32
      %dma_start3A_107 = arith.constant 0 : i32
      %dma_start3A_108 = tpu.memref_slice %arg9[%dma_start3A, %dma_start3A_106, %dma_start3A_107] : memref<5x80x128xbf16, #tpu.memory_space<vmem>> -> memref<1x80x128xbf16, #tpu.memory_space<vmem>>
      %dma_start3A_109 = tpu.memref_squeeze %dma_start3A_108 : memref<1x80x128xbf16, #tpu.memory_space<vmem>> -> memref<80x128xbf16, #tpu.memory_space<vmem>>
      %dma_start3A_110 = tpu.memref_slice %arg7[%mul3A_69] : memref<10000xi32, #tpu.memory_space<vmem>> -> memref<80xi32, #tpu.memory_space<vmem>>
      %dma_start3A_111 = arith.constant 0 : i32
      %dma_start3A_112 = arith.constant 0 : i32
      %dma_start3A_113 = tpu.memref_slice %arg2[%dma_start3A_111, %dma_start3A_112] : memref<10000x128xbf16, #tpu.memory_space<hbm>> -> memref<10000x128xbf16, #tpu.memory_space<hbm>>
      tpu.enqueue_indirect_dma source(%dma_start3A_113 : memref<10000x128xbf16, #tpu.memory_space<hbm>>) target(%dma_start3A_109 : memref<80x128xbf16, #tpu.memory_space<vmem>>) offsets(%dma_start3A_110 : memref<80xi32, #tpu.memory_space<vmem>>) semaphore(%arg14 : memref<!tpu.dma_semaphore, #tpu.memory_space<semaphore_mem>>)
      %dma_start3A_114 = arith.constant 1 : i32
      %dma_start3A_115 = arith.constant 0 : i32
      %dma_start3A_116 = arith.constant 0 : i32
      %dma_start3A_117 = tpu.memref_slice %arg9[%dma_start3A_114, %dma_start3A_115, %dma_start3A_116] : memref<5x80x128xbf16, #tpu.memory_space<vmem>> -> memref<1x80x128xbf16, #tpu.memory_space<vmem>>
      %dma_start3A_118 = tpu.memref_squeeze %dma_start3A_117 : memref<1x80x128xbf16, #tpu.memory_space<vmem>> -> memref<80x128xbf16, #tpu.memory_space<vmem>>
      %dma_start3A_119 = tpu.memref_slice %arg7[%mul3A_73] : memref<10000xi32, #tpu.memory_space<vmem>> -> memref<80xi32, #tpu.memory_space<vmem>>
      %dma_start3A_120 = arith.constant 0 : i32
      %dma_start3A_121 = arith.constant 0 : i32
      %dma_start3A_122 = tpu.memref_slice %arg2[%dma_start3A_120, %dma_start3A_121] : memref<10000x128xbf16, #tpu.memory_space<hbm>> -> memref<10000x128xbf16, #tpu.memory_space<hbm>>
      tpu.enqueue_indirect_dma source(%dma_start3A_122 : memref<10000x128xbf16, #tpu.memory_space<hbm>>) target(%dma_start3A_118 : memref<80x128xbf16, #tpu.memory_space<vmem>>) offsets(%dma_start3A_119 : memref<80xi32, #tpu.memory_space<vmem>>) semaphore(%arg15 : memref<!tpu.dma_semaphore, #tpu.memory_space<semaphore_mem>>)
      %dma_start3A_123 = arith.constant 2 : i32
      %dma_start3A_124 = arith.constant 0 : i32
      %dma_start3A_125 = arith.constant 0 : i32
      %dma_start3A_126 = tpu.memref_slice %arg9[%dma_start3A_123, %dma_start3A_124, %dma_start3A_125] : memref<5x80x128xbf16, #tpu.memory_space<vmem>> -> memref<1x80x128xbf16, #tpu.memory_space<vmem>>
      %dma_start3A_127 = tpu.memref_squeeze %dma_start3A_126 : memref<1x80x128xbf16, #tpu.memory_space<vmem>> -> memref<80x128xbf16, #tpu.memory_space<vmem>>
      %dma_start3A_128 = tpu.memref_slice %arg7[%mul3A_77] : memref<10000xi32, #tpu.memory_space<vmem>> -> memref<80xi32, #tpu.memory_space<vmem>>
      %dma_start3A_129 = arith.constant 0 : i32
      %dma_start3A_130 = arith.constant 0 : i32
      %dma_start3A_131 = tpu.memref_slice %arg2[%dma_start3A_129, %dma_start3A_130] : memref<10000x128xbf16, #tpu.memory_space<hbm>> -> memref<10000x128xbf16, #tpu.memory_space<hbm>>
      tpu.enqueue_indirect_dma source(%dma_start3A_131 : memref<10000x128xbf16, #tpu.memory_space<hbm>>) target(%dma_start3A_127 : memref<80x128xbf16, #tpu.memory_space<vmem>>) offsets(%dma_start3A_128 : memref<80xi32, #tpu.memory_space<vmem>>) semaphore(%arg16 : memref<!tpu.dma_semaphore, #tpu.memory_space<semaphore_mem>>)
      %dma_start3A_132 = arith.constant 3 : i32
      %dma_start3A_133 = arith.constant 0 : i32
      %dma_start3A_134 = arith.constant 0 : i32
      %dma_start3A_135 = tpu.memref_slice %arg9[%dma_start3A_132, %dma_start3A_133, %dma_start3A_134] : memref<5x80x128xbf16, #tpu.memory_space<vmem>> -> memref<1x80x128xbf16, #tpu.memory_space<vmem>>
      %dma_start3A_136 = tpu.memref_squeeze %dma_start3A_135 : memref<1x80x128xbf16, #tpu.memory_space<vmem>> -> memref<80x128xbf16, #tpu.memory_space<vmem>>
      %dma_start3A_137 = tpu.memref_slice %arg7[%mul3A_81] : memref<10000xi32, #tpu.memory_space<vmem>> -> memref<80xi32, #tpu.memory_space<vmem>>
      %dma_start3A_138 = arith.constant 0 : i32
      %dma_start3A_139 = arith.constant 0 : i32
      %dma_start3A_140 = tpu.memref_slice %arg2[%dma_start3A_138, %dma_start3A_139] : memref<10000x128xbf16, #tpu.memory_space<hbm>> -> memref<10000x128xbf16, #tpu.memory_space<hbm>>
      tpu.enqueue_indirect_dma source(%dma_start3A_140 : memref<10000x128xbf16, #tpu.memory_space<hbm>>) target(%dma_start3A_136 : memref<80x128xbf16, #tpu.memory_space<vmem>>) offsets(%dma_start3A_137 : memref<80xi32, #tpu.memory_space<vmem>>) semaphore(%arg17 : memref<!tpu.dma_semaphore, #tpu.memory_space<semaphore_mem>>)
      %dma_start3A_141 = arith.constant 4 : i32
      %dma_start3A_142 = arith.constant 0 : i32
      %dma_start3A_143 = arith.constant 0 : i32
      %dma_start3A_144 = tpu.memref_slice %arg9[%dma_start3A_141, %dma_start3A_142, %dma_start3A_143] : memref<5x80x128xbf16, #tpu.memory_space<vmem>> -> memref<1x80x128xbf16, #tpu.memory_space<vmem>>
      %dma_start3A_145 = tpu.memref_squeeze %dma_start3A_144 : memref<1x80x128xbf16, #tpu.memory_space<vmem>> -> memref<80x128xbf16, #tpu.memory_space<vmem>>
      %dma_start3A_146 = tpu.memref_slice %arg7[%mul3A_85] : memref<10000xi32, #tpu.memory_space<vmem>> -> memref<80xi32, #tpu.memory_space<vmem>>
      %dma_start3A_147 = arith.constant 0 : i32
      %dma_start3A_148 = arith.constant 0 : i32
      %dma_start3A_149 = tpu.memref_slice %arg2[%dma_start3A_147, %dma_start3A_148] : memref<10000x128xbf16, #tpu.memory_space<hbm>> -> memref<10000x128xbf16, #tpu.memory_space<hbm>>
      tpu.enqueue_indirect_dma source(%dma_start3A_149 : memref<10000x128xbf16, #tpu.memory_space<hbm>>) target(%dma_start3A_145 : memref<80x128xbf16, #tpu.memory_space<vmem>>) offsets(%dma_start3A_146 : memref<80xi32, #tpu.memory_space<vmem>>) semaphore(%arg18 : memref<!tpu.dma_semaphore, #tpu.memory_space<semaphore_mem>>)
      %dma_wait3A = arith.constant 0 : i32
      %dma_wait3A_150 = arith.constant 0 : i32
      %dma_wait3A_151 = arith.constant 0 : i32
      %dma_wait3A_152 = tpu.memref_slice %arg9[%dma_wait3A, %dma_wait3A_150, %dma_wait3A_151] : memref<5x80x128xbf16, #tpu.memory_space<vmem>> -> memref<1x80x128xbf16, #tpu.memory_space<vmem>>
      %dma_wait3A_153 = tpu.memref_squeeze %dma_wait3A_152 : memref<1x80x128xbf16, #tpu.memory_space<vmem>> -> memref<80x128xbf16, #tpu.memory_space<vmem>>
      %dma_wait3A_154 = tpu.memref_slice %arg7[%mul3A_69] : memref<10000xi32, #tpu.memory_space<vmem>> -> memref<80xi32, #tpu.memory_space<vmem>>
      %dma_wait3A_155 = arith.constant 0 : i32
      %dma_wait3A_156 = arith.constant 0 : i32
      %dma_wait3A_157 = tpu.memref_slice %arg2[%dma_wait3A_155, %dma_wait3A_156] : memref<10000x128xbf16, #tpu.memory_space<hbm>> -> memref<10000x128xbf16, #tpu.memory_space<hbm>>
      tpu.wait_indirect_dma semaphore(%arg14 : memref<!tpu.dma_semaphore, #tpu.memory_space<semaphore_mem>>) src(%dma_wait3A_157 : memref<10000x128xbf16, #tpu.memory_space<hbm>>) dst(%dma_wait3A_153 : memref<80x128xbf16, #tpu.memory_space<vmem>>)
      %dma_start3A_158 = arith.constant 0 : i32
      %dma_start3A_159 = arith.constant 0 : i32
      %dma_start3A_160 = arith.constant 0 : i32
      %dma_start3A_161 = tpu.memref_slice %arg9[%dma_start3A_158, %dma_start3A_159, %dma_start3A_160] : memref<5x80x128xbf16, #tpu.memory_space<vmem>> -> memref<1x80x128xbf16, #tpu.memory_space<vmem>>
      %dma_start3A_162 = tpu.memref_squeeze %dma_start3A_161 : memref<1x80x128xbf16, #tpu.memory_space<vmem>> -> memref<80x128xbf16, #tpu.memory_space<vmem>>
      %dma_start3A_163 = tpu.memref_slice %arg8[%mul3A_89] : memref<10000xi32, #tpu.memory_space<vmem>> -> memref<80xi32, #tpu.memory_space<vmem>>
      %dma_start3A_164 = arith.constant 0 : i32
      %dma_start3A_165 = arith.constant 0 : i32
      %dma_start3A_166 = tpu.memref_slice %arg12[%dma_start3A_164, %dma_start3A_165] : memref<10000x128xbf16, #tpu.memory_space<vmem_shared>> -> memref<10000x128xbf16, #tpu.memory_space<vmem_shared>>
      tpu.enqueue_indirect_dma source(%dma_start3A_162 : memref<80x128xbf16, #tpu.memory_space<vmem>>) target(%dma_start3A_166 : memref<10000x128xbf16, #tpu.memory_space<vmem_shared>>) offsets(%dma_start3A_163 : memref<80xi32, #tpu.memory_space<vmem>>) semaphore(%arg19 : memref<!tpu.dma_semaphore, #tpu.memory_space<semaphore_mem>>) {add = true}
      %dma_start3A_167 = tpu.memref_slice %arg8[%mul3A_89] : memref<10000xi32, #tpu.memory_space<vmem>> -> memref<80xi32, #tpu.memory_space<vmem>>
      %dma_start3A_168 = arith.constant 0 : i32
      %dma_start3A_169 = arith.constant 0 : i32
      %dma_start3A_170 = tpu.memref_slice %arg13[%dma_start3A_168, %dma_start3A_169] : memref<10000x16xf32, #tpu.memory_space<vmem_shared>> -> memref<10000x16xf32, #tpu.memory_space<vmem_shared>>
      tpu.enqueue_indirect_dma source(%arg10 : memref<80x16xf32, #tpu.memory_space<vmem>>) target(%dma_start3A_170 : memref<10000x16xf32, #tpu.memory_space<vmem_shared>>) offsets(%dma_start3A_167 : memref<80xi32, #tpu.memory_space<vmem>>) semaphore(%arg24 : memref<!tpu.dma_semaphore, #tpu.memory_space<semaphore_mem>>) {add = true}
      %dma_wait3A_171 = arith.constant 1 : i32
      %dma_wait3A_172 = arith.constant 0 : i32
      %dma_wait3A_173 = arith.constant 0 : i32
      %dma_wait3A_174 = tpu.memref_slice %arg9[%dma_wait3A_171, %dma_wait3A_172, %dma_wait3A_173] : memref<5x80x128xbf16, #tpu.memory_space<vmem>> -> memref<1x80x128xbf16, #tpu.memory_space<vmem>>
      %dma_wait3A_175 = tpu.memref_squeeze %dma_wait3A_174 : memref<1x80x128xbf16, #tpu.memory_space<vmem>> -> memref<80x128xbf16, #tpu.memory_space<vmem>>
      %dma_wait3A_176 = tpu.memref_slice %arg7[%mul3A_73] : memref<10000xi32, #tpu.memory_space<vmem>> -> memref<80xi32, #tpu.memory_space<vmem>>
      %dma_wait3A_177 = arith.constant 0 : i32
      %dma_wait3A_178 = arith.constant 0 : i32
      %dma_wait3A_179 = tpu.memref_slice %arg2[%dma_wait3A_177, %dma_wait3A_178] : memref<10000x128xbf16, #tpu.memory_space<hbm>> -> memref<10000x128xbf16, #tpu.memory_space<hbm>>
      tpu.wait_indirect_dma semaphore(%arg15 : memref<!tpu.dma_semaphore, #tpu.memory_space<semaphore_mem>>) src(%dma_wait3A_179 : memref<10000x128xbf16, #tpu.memory_space<hbm>>) dst(%dma_wait3A_175 : memref<80x128xbf16, #tpu.memory_space<vmem>>)
      %dma_start3A_180 = arith.constant 1 : i32
      %dma_start3A_181 = arith.constant 0 : i32
      %dma_start3A_182 = arith.constant 0 : i32
      %dma_start3A_183 = tpu.memref_slice %arg9[%dma_start3A_180, %dma_start3A_181, %dma_start3A_182] : memref<5x80x128xbf16, #tpu.memory_space<vmem>> -> memref<1x80x128xbf16, #tpu.memory_space<vmem>>
      %dma_start3A_184 = tpu.memref_squeeze %dma_start3A_183 : memref<1x80x128xbf16, #tpu.memory_space<vmem>> -> memref<80x128xbf16, #tpu.memory_space<vmem>>
      %dma_start3A_185 = tpu.memref_slice %arg8[%mul3A_93] : memref<10000xi32, #tpu.memory_space<vmem>> -> memref<80xi32, #tpu.memory_space<vmem>>
      %dma_start3A_186 = arith.constant 0 : i32
      %dma_start3A_187 = arith.constant 0 : i32
      %dma_start3A_188 = tpu.memref_slice %arg12[%dma_start3A_186, %dma_start3A_187] : memref<10000x128xbf16, #tpu.memory_space<vmem_shared>> -> memref<10000x128xbf16, #tpu.memory_space<vmem_shared>>
      tpu.enqueue_indirect_dma source(%dma_start3A_184 : memref<80x128xbf16, #tpu.memory_space<vmem>>) target(%dma_start3A_188 : memref<10000x128xbf16, #tpu.memory_space<vmem_shared>>) offsets(%dma_start3A_185 : memref<80xi32, #tpu.memory_space<vmem>>) semaphore(%arg20 : memref<!tpu.dma_semaphore, #tpu.memory_space<semaphore_mem>>) {add = true}
      %dma_start3A_189 = tpu.memref_slice %arg8[%mul3A_93] : memref<10000xi32, #tpu.memory_space<vmem>> -> memref<80xi32, #tpu.memory_space<vmem>>
      %dma_start3A_190 = arith.constant 0 : i32
      %dma_start3A_191 = arith.constant 0 : i32
      %dma_start3A_192 = tpu.memref_slice %arg13[%dma_start3A_190, %dma_start3A_191] : memref<10000x16xf32, #tpu.memory_space<vmem_shared>> -> memref<10000x16xf32, #tpu.memory_space<vmem_shared>>
      tpu.enqueue_indirect_dma source(%arg10 : memref<80x16xf32, #tpu.memory_space<vmem>>) target(%dma_start3A_192 : memref<10000x16xf32, #tpu.memory_space<vmem_shared>>) offsets(%dma_start3A_189 : memref<80xi32, #tpu.memory_space<vmem>>) semaphore(%arg25 : memref<!tpu.dma_semaphore, #tpu.memory_space<semaphore_mem>>) {add = true}
      %dma_wait3A_193 = arith.constant 2 : i32
      %dma_wait3A_194 = arith.constant 0 : i32
      %dma_wait3A_195 = arith.constant 0 : i32
      %dma_wait3A_196 = tpu.memref_slice %arg9[%dma_wait3A_193, %dma_wait3A_194, %dma_wait3A_195] : memref<5x80x128xbf16, #tpu.memory_space<vmem>> -> memref<1x80x128xbf16, #tpu.memory_space<vmem>>
      %dma_wait3A_197 = tpu.memref_squeeze %dma_wait3A_196 : memref<1x80x128xbf16, #tpu.memory_space<vmem>> -> memref<80x128xbf16, #tpu.memory_space<vmem>>
      %dma_wait3A_198 = tpu.memref_slice %arg7[%mul3A_77] : memref<10000xi32, #tpu.memory_space<vmem>> -> memref<80xi32, #tpu.memory_space<vmem>>
      %dma_wait3A_199 = arith.constant 0 : i32
      %dma_wait3A_200 = arith.constant 0 : i32
      %dma_wait3A_201 = tpu.memref_slice %arg2[%dma_wait3A_199, %dma_wait3A_200] : memref<10000x128xbf16, #tpu.memory_space<hbm>> -> memref<10000x128xbf16, #tpu.memory_space<hbm>>
      tpu.wait_indirect_dma semaphore(%arg16 : memref<!tpu.dma_semaphore, #tpu.memory_space<semaphore_mem>>) src(%dma_wait3A_201 : memref<10000x128xbf16, #tpu.memory_space<hbm>>) dst(%dma_wait3A_197 : memref<80x128xbf16, #tpu.memory_space<vmem>>)
      %dma_start3A_202 = arith.constant 2 : i32
      %dma_start3A_203 = arith.constant 0 : i32
      %dma_start3A_204 = arith.constant 0 : i32
      %dma_start3A_205 = tpu.memref_slice %arg9[%dma_start3A_202, %dma_start3A_203, %dma_start3A_204] : memref<5x80x128xbf16, #tpu.memory_space<vmem>> -> memref<1x80x128xbf16, #tpu.memory_space<vmem>>
      %dma_start3A_206 = tpu.memref_squeeze %dma_start3A_205 : memref<1x80x128xbf16, #tpu.memory_space<vmem>> -> memref<80x128xbf16, #tpu.memory_space<vmem>>
      %dma_start3A_207 = tpu.memref_slice %arg8[%mul3A_97] : memref<10000xi32, #tpu.memory_space<vmem>> -> memref<80xi32, #tpu.memory_space<vmem>>
      %dma_start3A_208 = arith.constant 0 : i32
      %dma_start3A_209 = arith.constant 0 : i32
      %dma_start3A_210 = tpu.memref_slice %arg12[%dma_start3A_208, %dma_start3A_209] : memref<10000x128xbf16, #tpu.memory_space<vmem_shared>> -> memref<10000x128xbf16, #tpu.memory_space<vmem_shared>>
      tpu.enqueue_indirect_dma source(%dma_start3A_206 : memref<80x128xbf16, #tpu.memory_space<vmem>>) target(%dma_start3A_210 : memref<10000x128xbf16, #tpu.memory_space<vmem_shared>>) offsets(%dma_start3A_207 : memref<80xi32, #tpu.memory_space<vmem>>) semaphore(%arg21 : memref<!tpu.dma_semaphore, #tpu.memory_space<semaphore_mem>>) {add = true}
      %dma_start3A_211 = tpu.memref_slice %arg8[%mul3A_97] : memref<10000xi32, #tpu.memory_space<vmem>> -> memref<80xi32, #tpu.memory_space<vmem>>
      %dma_start3A_212 = arith.constant 0 : i32
      %dma_start3A_213 = arith.constant 0 : i32
      %dma_start3A_214 = tpu.memref_slice %arg13[%dma_start3A_212, %dma_start3A_213] : memref<10000x16xf32, #tpu.memory_space<vmem_shared>> -> memref<10000x16xf32, #tpu.memory_space<vmem_shared>>
      tpu.enqueue_indirect_dma source(%arg10 : memref<80x16xf32, #tpu.memory_space<vmem>>) target(%dma_start3A_214 : memref<10000x16xf32, #tpu.memory_space<vmem_shared>>) offsets(%dma_start3A_211 : memref<80xi32, #tpu.memory_space<vmem>>) semaphore(%arg26 : memref<!tpu.dma_semaphore, #tpu.memory_space<semaphore_mem>>) {add = true}
      %dma_wait3A_215 = arith.constant 3 : i32
      %dma_wait3A_216 = arith.constant 0 : i32
      %dma_wait3A_217 = arith.constant 0 : i32
      %dma_wait3A_218 = tpu.memref_slice %arg9[%dma_wait3A_215, %dma_wait3A_216, %dma_wait3A_217] : memref<5x80x128xbf16, #tpu.memory_space<vmem>> -> memref<1x80x128xbf16, #tpu.memory_space<vmem>>
      %dma_wait3A_219 = tpu.memref_squeeze %dma_wait3A_218 : memref<1x80x128xbf16, #tpu.memory_space<vmem>> -> memref<80x128xbf16, #tpu.memory_space<vmem>>
      %dma_wait3A_220 = tpu.memref_slice %arg7[%mul3A_81] : memref<10000xi32, #tpu.memory_space<vmem>> -> memref<80xi32, #tpu.memory_space<vmem>>
      %dma_wait3A_221 = arith.constant 0 : i32
      %dma_wait3A_222 = arith.constant 0 : i32
      %dma_wait3A_223 = tpu.memref_slice %arg2[%dma_wait3A_221, %dma_wait3A_222] : memref<10000x128xbf16, #tpu.memory_space<hbm>> -> memref<10000x128xbf16, #tpu.memory_space<hbm>>
      tpu.wait_indirect_dma semaphore(%arg17 : memref<!tpu.dma_semaphore, #tpu.memory_space<semaphore_mem>>) src(%dma_wait3A_223 : memref<10000x128xbf16, #tpu.memory_space<hbm>>) dst(%dma_wait3A_219 : memref<80x128xbf16, #tpu.memory_space<vmem>>)
      %dma_start3A_224 = arith.constant 3 : i32
      %dma_start3A_225 = arith.constant 0 : i32
      %dma_start3A_226 = arith.constant 0 : i32
      %dma_start3A_227 = tpu.memref_slice %arg9[%dma_start3A_224, %dma_start3A_225, %dma_start3A_226] : memref<5x80x128xbf16, #tpu.memory_space<vmem>> -> memref<1x80x128xbf16, #tpu.memory_space<vmem>>
      %dma_start3A_228 = tpu.memref_squeeze %dma_start3A_227 : memref<1x80x128xbf16, #tpu.memory_space<vmem>> -> memref<80x128xbf16, #tpu.memory_space<vmem>>
      %dma_start3A_229 = tpu.memref_slice %arg8[%mul3A_101] : memref<10000xi32, #tpu.memory_space<vmem>> -> memref<80xi32, #tpu.memory_space<vmem>>
      %dma_start3A_230 = arith.constant 0 : i32
      %dma_start3A_231 = arith.constant 0 : i32
      %dma_start3A_232 = tpu.memref_slice %arg12[%dma_start3A_230, %dma_start3A_231] : memref<10000x128xbf16, #tpu.memory_space<vmem_shared>> -> memref<10000x128xbf16, #tpu.memory_space<vmem_shared>>
      tpu.enqueue_indirect_dma source(%dma_start3A_228 : memref<80x128xbf16, #tpu.memory_space<vmem>>) target(%dma_start3A_232 : memref<10000x128xbf16, #tpu.memory_space<vmem_shared>>) offsets(%dma_start3A_229 : memref<80xi32, #tpu.memory_space<vmem>>) semaphore(%arg22 : memref<!tpu.dma_semaphore, #tpu.memory_space<semaphore_mem>>) {add = true}
      %dma_start3A_233 = tpu.memref_slice %arg8[%mul3A_101] : memref<10000xi32, #tpu.memory_space<vmem>> -> memref<80xi32, #tpu.memory_space<vmem>>
      %dma_start3A_234 = arith.constant 0 : i32
      %dma_start3A_235 = arith.constant 0 : i32
      %dma_start3A_236 = tpu.memref_slice %arg13[%dma_start3A_234, %dma_start3A_235] : memref<10000x16xf32, #tpu.memory_space<vmem_shared>> -> memref<10000x16xf32, #tpu.memory_space<vmem_shared>>
      tpu.enqueue_indirect_dma source(%arg10 : memref<80x16xf32, #tpu.memory_space<vmem>>) target(%dma_start3A_236 : memref<10000x16xf32, #tpu.memory_space<vmem_shared>>) offsets(%dma_start3A_233 : memref<80xi32, #tpu.memory_space<vmem>>) semaphore(%arg27 : memref<!tpu.dma_semaphore, #tpu.memory_space<semaphore_mem>>) {add = true}
      %dma_wait3A_237 = arith.constant 4 : i32
      %dma_wait3A_238 = arith.constant 0 : i32
      %dma_wait3A_239 = arith.constant 0 : i32
      %dma_wait3A_240 = tpu.memref_slice %arg9[%dma_wait3A_237, %dma_wait3A_238, %dma_wait3A_239] : memref<5x80x128xbf16, #tpu.memory_space<vmem>> -> memref<1x80x128xbf16, #tpu.memory_space<vmem>>
      %dma_wait3A_241 = tpu.memref_squeeze %dma_wait3A_240 : memref<1x80x128xbf16, #tpu.memory_space<vmem>> -> memref<80x128xbf16, #tpu.memory_space<vmem>>
      %dma_wait3A_242 = tpu.memref_slice %arg7[%mul3A_85] : memref<10000xi32, #tpu.memory_space<vmem>> -> memref<80xi32, #tpu.memory_space<vmem>>
      %dma_wait3A_243 = arith.constant 0 : i32
      %dma_wait3A_244 = arith.constant 0 : i32
      %dma_wait3A_245 = tpu.memref_slice %arg2[%dma_wait3A_243, %dma_wait3A_244] : memref<10000x128xbf16, #tpu.memory_space<hbm>> -> memref<10000x128xbf16, #tpu.memory_space<hbm>>
      tpu.wait_indirect_dma semaphore(%arg18 : memref<!tpu.dma_semaphore, #tpu.memory_space<semaphore_mem>>) src(%dma_wait3A_245 : memref<10000x128xbf16, #tpu.memory_space<hbm>>) dst(%dma_wait3A_241 : memref<80x128xbf16, #tpu.memory_space<vmem>>)
      %dma_start3A_246 = arith.constant 4 : i32
      %dma_start3A_247 = arith.constant 0 : i32
      %dma_start3A_248 = arith.constant 0 : i32
      %dma_start3A_249 = tpu.memref_slice %arg9[%dma_start3A_246, %dma_start3A_247, %dma_start3A_248] : memref<5x80x128xbf16, #tpu.memory_space<vmem>> -> memref<1x80x128xbf16, #tpu.memory_space<vmem>>
      %dma_start3A_250 = tpu.memref_squeeze %dma_start3A_249 : memref<1x80x128xbf16, #tpu.memory_space<vmem>> -> memref<80x128xbf16, #tpu.memory_space<vmem>>
      %dma_start3A_251 = tpu.memref_slice %arg8[%mul3A_105] : memref<10000xi32, #tpu.memory_space<vmem>> -> memref<80xi32, #tpu.memory_space<vmem>>
      %dma_start3A_252 = arith.constant 0 : i32
      %dma_start3A_253 = arith.constant 0 : i32
      %dma_start3A_254 = tpu.memref_slice %arg12[%dma_start3A_252, %dma_start3A_253] : memref<10000x128xbf16, #tpu.memory_space<vmem_shared>> -> memref<10000x128xbf16, #tpu.memory_space<vmem_shared>>
      tpu.enqueue_indirect_dma source(%dma_start3A_250 : memref<80x128xbf16, #tpu.memory_space<vmem>>) target(%dma_start3A_254 : memref<10000x128xbf16, #tpu.memory_space<vmem_shared>>) offsets(%dma_start3A_251 : memref<80xi32, #tpu.memory_space<vmem>>) semaphore(%arg23 : memref<!tpu.dma_semaphore, #tpu.memory_space<semaphore_mem>>) {add = true}
      %dma_start3A_255 = tpu.memref_slice %arg8[%mul3A_105] : memref<10000xi32, #tpu.memory_space<vmem>> -> memref<80xi32, #tpu.memory_space<vmem>>
      %dma_start3A_256 = arith.constant 0 : i32
      %dma_start3A_257 = arith.constant 0 : i32
      %dma_start3A_258 = tpu.memref_slice %arg13[%dma_start3A_256, %dma_start3A_257] : memref<10000x16xf32, #tpu.memory_space<vmem_shared>> -> memref<10000x16xf32, #tpu.memory_space<vmem_shared>>
      tpu.enqueue_indirect_dma source(%arg10 : memref<80x16xf32, #tpu.memory_space<vmem>>) target(%dma_start3A_258 : memref<10000x16xf32, #tpu.memory_space<vmem_shared>>) offsets(%dma_start3A_255 : memref<80xi32, #tpu.memory_space<vmem>>) semaphore(%arg28 : memref<!tpu.dma_semaphore, #tpu.memory_space<semaphore_mem>>) {add = true}
      %dma_wait3A_259 = arith.constant 0 : i32
      %dma_wait3A_260 = arith.constant 0 : i32
      %dma_wait3A_261 = arith.constant 0 : i32
      %dma_wait3A_262 = tpu.memref_slice %arg9[%dma_wait3A_259, %dma_wait3A_260, %dma_wait3A_261] : memref<5x80x128xbf16, #tpu.memory_space<vmem>> -> memref<1x80x128xbf16, #tpu.memory_space<vmem>>
      %dma_wait3A_263 = tpu.memref_squeeze %dma_wait3A_262 : memref<1x80x128xbf16, #tpu.memory_space<vmem>> -> memref<80x128xbf16, #tpu.memory_space<vmem>>
      %dma_wait3A_264 = tpu.memref_slice %arg8[%mul3A_89] : memref<10000xi32, #tpu.memory_space<vmem>> -> memref<80xi32, #tpu.memory_space<vmem>>
      %dma_wait3A_265 = arith.constant 0 : i32
      %dma_wait3A_266 = arith.constant 0 : i32
      %dma_wait3A_267 = tpu.memref_slice %arg12[%dma_wait3A_265, %dma_wait3A_266] : memref<10000x128xbf16, #tpu.memory_space<vmem_shared>> -> memref<10000x128xbf16, #tpu.memory_space<vmem_shared>>
      tpu.wait_indirect_dma semaphore(%arg19 : memref<!tpu.dma_semaphore, #tpu.memory_space<semaphore_mem>>) src(%dma_wait3A_263 : memref<80x128xbf16, #tpu.memory_space<vmem>>) dst(%dma_wait3A_267 : memref<10000x128xbf16, #tpu.memory_space<vmem_shared>>)
      %dma_wait3A_268 = tpu.memref_slice %arg8[%mul3A_89] : memref<10000xi32, #tpu.memory_space<vmem>> -> memref<80xi32, #tpu.memory_space<vmem>>
      %dma_wait3A_269 = arith.constant 0 : i32
      %dma_wait3A_270 = arith.constant 0 : i32
      %dma_wait3A_271 = tpu.memref_slice %arg13[%dma_wait3A_269, %dma_wait3A_270] : memref<10000x16xf32, #tpu.memory_space<vmem_shared>> -> memref<10000x16xf32, #tpu.memory_space<vmem_shared>>
      tpu.wait_indirect_dma semaphore(%arg24 : memref<!tpu.dma_semaphore, #tpu.memory_space<semaphore_mem>>) src(%arg10 : memref<80x16xf32, #tpu.memory_space<vmem>>) dst(%dma_wait3A_271 : memref<10000x16xf32, #tpu.memory_space<vmem_shared>>)
      %dma_wait3A_272 = arith.constant 1 : i32
      %dma_wait3A_273 = arith.constant 0 : i32
      %dma_wait3A_274 = arith.constant 0 : i32
      %dma_wait3A_275 = tpu.memref_slice %arg9[%dma_wait3A_272, %dma_wait3A_273, %dma_wait3A_274] : memref<5x80x128xbf16, #tpu.memory_space<vmem>> -> memref<1x80x128xbf16, #tpu.memory_space<vmem>>
      %dma_wait3A_276 = tpu.memref_squeeze %dma_wait3A_275 : memref<1x80x128xbf16, #tpu.memory_space<vmem>> -> memref<80x128xbf16, #tpu.memory_space<vmem>>
      %dma_wait3A_277 = tpu.memref_slice %arg8[%mul3A_93] : memref<10000xi32, #tpu.memory_space<vmem>> -> memref<80xi32, #tpu.memory_space<vmem>>
      %dma_wait3A_278 = arith.constant 0 : i32
      %dma_wait3A_279 = arith.constant 0 : i32
      %dma_wait3A_280 = tpu.memref_slice %arg12[%dma_wait3A_278, %dma_wait3A_279] : memref<10000x128xbf16, #tpu.memory_space<vmem_shared>> -> memref<10000x128xbf16, #tpu.memory_space<vmem_shared>>
      tpu.wait_indirect_dma semaphore(%arg20 : memref<!tpu.dma_semaphore, #tpu.memory_space<semaphore_mem>>) src(%dma_wait3A_276 : memref<80x128xbf16, #tpu.memory_space<vmem>>) dst(%dma_wait3A_280 : memref<10000x128xbf16, #tpu.memory_space<vmem_shared>>)
      %dma_wait3A_281 = tpu.memref_slice %arg8[%mul3A_93] : memref<10000xi32, #tpu.memory_space<vmem>> -> memref<80xi32, #tpu.memory_space<vmem>>
      %dma_wait3A_282 = arith.constant 0 : i32
      %dma_wait3A_283 = arith.constant 0 : i32
      %dma_wait3A_284 = tpu.memref_slice %arg13[%dma_wait3A_282, %dma_wait3A_283] : memref<10000x16xf32, #tpu.memory_space<vmem_shared>> -> memref<10000x16xf32, #tpu.memory_space<vmem_shared>>
      tpu.wait_indirect_dma semaphore(%arg25 : memref<!tpu.dma_semaphore, #tpu.memory_space<semaphore_mem>>) src(%arg10 : memref<80x16xf32, #tpu.memory_space<vmem>>) dst(%dma_wait3A_284 : memref<10000x16xf32, #tpu.memory_space<vmem_shared>>)
      %dma_wait3A_285 = arith.constant 2 : i32
      %dma_wait3A_286 = arith.constant 0 : i32
      %dma_wait3A_287 = arith.constant 0 : i32
      %dma_wait3A_288 = tpu.memref_slice %arg9[%dma_wait3A_285, %dma_wait3A_286, %dma_wait3A_287] : memref<5x80x128xbf16, #tpu.memory_space<vmem>> -> memref<1x80x128xbf16, #tpu.memory_space<vmem>>
      %dma_wait3A_289 = tpu.memref_squeeze %dma_wait3A_288 : memref<1x80x128xbf16, #tpu.memory_space<vmem>> -> memref<80x128xbf16, #tpu.memory_space<vmem>>
      %dma_wait3A_290 = tpu.memref_slice %arg8[%mul3A_97] : memref<10000xi32, #tpu.memory_space<vmem>> -> memref<80xi32, #tpu.memory_space<vmem>>
      %dma_wait3A_291 = arith.constant 0 : i32
      %dma_wait3A_292 = arith.constant 0 : i32
      %dma_wait3A_293 = tpu.memref_slice %arg12[%dma_wait3A_291, %dma_wait3A_292] : memref<10000x128xbf16, #tpu.memory_space<vmem_shared>> -> memref<10000x128xbf16, #tpu.memory_space<vmem_shared>>
      tpu.wait_indirect_dma semaphore(%arg21 : memref<!tpu.dma_semaphore, #tpu.memory_space<semaphore_mem>>) src(%dma_wait3A_289 : memref<80x128xbf16, #tpu.memory_space<vmem>>) dst(%dma_wait3A_293 : memref<10000x128xbf16, #tpu.memory_space<vmem_shared>>)
      %dma_wait3A_294 = tpu.memref_slice %arg8[%mul3A_97] : memref<10000xi32, #tpu.memory_space<vmem>> -> memref<80xi32, #tpu.memory_space<vmem>>
      %dma_wait3A_295 = arith.constant 0 : i32
      %dma_wait3A_296 = arith.constant 0 : i32
      %dma_wait3A_297 = tpu.memref_slice %arg13[%dma_wait3A_295, %dma_wait3A_296] : memref<10000x16xf32, #tpu.memory_space<vmem_shared>> -> memref<10000x16xf32, #tpu.memory_space<vmem_shared>>
      tpu.wait_indirect_dma semaphore(%arg26 : memref<!tpu.dma_semaphore, #tpu.memory_space<semaphore_mem>>) src(%arg10 : memref<80x16xf32, #tpu.memory_space<vmem>>) dst(%dma_wait3A_297 : memref<10000x16xf32, #tpu.memory_space<vmem_shared>>)
      %dma_wait3A_298 = arith.constant 3 : i32
      %dma_wait3A_299 = arith.constant 0 : i32
      %dma_wait3A_300 = arith.constant 0 : i32
      %dma_wait3A_301 = tpu.memref_slice %arg9[%dma_wait3A_298, %dma_wait3A_299, %dma_wait3A_300] : memref<5x80x128xbf16, #tpu.memory_space<vmem>> -> memref<1x80x128xbf16, #tpu.memory_space<vmem>>
      %dma_wait3A_302 = tpu.memref_squeeze %dma_wait3A_301 : memref<1x80x128xbf16, #tpu.memory_space<vmem>> -> memref<80x128xbf16, #tpu.memory_space<vmem>>
      %dma_wait3A_303 = tpu.memref_slice %arg8[%mul3A_101] : memref<10000xi32, #tpu.memory_space<vmem>> -> memref<80xi32, #tpu.memory_space<vmem>>
      %dma_wait3A_304 = arith.constant 0 : i32
      %dma_wait3A_305 = arith.constant 0 : i32
      %dma_wait3A_306 = tpu.memref_slice %arg12[%dma_wait3A_304, %dma_wait3A_305] : memref<10000x128xbf16, #tpu.memory_space<vmem_shared>> -> memref<10000x128xbf16, #tpu.memory_space<vmem_shared>>
      tpu.wait_indirect_dma semaphore(%arg22 : memref<!tpu.dma_semaphore, #tpu.memory_space<semaphore_mem>>) src(%dma_wait3A_302 : memref<80x128xbf16, #tpu.memory_space<vmem>>) dst(%dma_wait3A_306 : memref<10000x128xbf16, #tpu.memory_space<vmem_shared>>)
      %dma_wait3A_307 = tpu.memref_slice %arg8[%mul3A_101] : memref<10000xi32, #tpu.memory_space<vmem>> -> memref<80xi32, #tpu.memory_space<vmem>>
      %dma_wait3A_308 = arith.constant 0 : i32
      %dma_wait3A_309 = arith.constant 0 : i32
      %dma_wait3A_310 = tpu.memref_slice %arg13[%dma_wait3A_308, %dma_wait3A_309] : memref<10000x16xf32, #tpu.memory_space<vmem_shared>> -> memref<10000x16xf32, #tpu.memory_space<vmem_shared>>
      tpu.wait_indirect_dma semaphore(%arg27 : memref<!tpu.dma_semaphore, #tpu.memory_space<semaphore_mem>>) src(%arg10 : memref<80x16xf32, #tpu.memory_space<vmem>>) dst(%dma_wait3A_310 : memref<10000x16xf32, #tpu.memory_space<vmem_shared>>)
      %dma_wait3A_311 = arith.constant 4 : i32
      %dma_wait3A_312 = arith.constant 0 : i32
      %dma_wait3A_313 = arith.constant 0 : i32
      %dma_wait3A_314 = tpu.memref_slice %arg9[%dma_wait3A_311, %dma_wait3A_312, %dma_wait3A_313] : memref<5x80x128xbf16, #tpu.memory_space<vmem>> -> memref<1x80x128xbf16, #tpu.memory_space<vmem>>
      %dma_wait3A_315 = tpu.memref_squeeze %dma_wait3A_314 : memref<1x80x128xbf16, #tpu.memory_space<vmem>> -> memref<80x128xbf16, #tpu.memory_space<vmem>>
      %dma_wait3A_316 = tpu.memref_slice %arg8[%mul3A_105] : memref<10000xi32, #tpu.memory_space<vmem>> -> memref<80xi32, #tpu.memory_space<vmem>>
      %dma_wait3A_317 = arith.constant 0 : i32
      %dma_wait3A_318 = arith.constant 0 : i32
      %dma_wait3A_319 = tpu.memref_slice %arg12[%dma_wait3A_317, %dma_wait3A_318] : memref<10000x128xbf16, #tpu.memory_space<vmem_shared>> -> memref<10000x128xbf16, #tpu.memory_space<vmem_shared>>
      tpu.wait_indirect_dma semaphore(%arg23 : memref<!tpu.dma_semaphore, #tpu.memory_space<semaphore_mem>>) src(%dma_wait3A_315 : memref<80x128xbf16, #tpu.memory_space<vmem>>) dst(%dma_wait3A_319 : memref<10000x128xbf16, #tpu.memory_space<vmem_shared>>)
      %dma_wait3A_320 = tpu.memref_slice %arg8[%mul3A_105] : memref<10000xi32, #tpu.memory_space<vmem>> -> memref<80xi32, #tpu.memory_space<vmem>>
      %dma_wait3A_321 = arith.constant 0 : i32
      %dma_wait3A_322 = arith.constant 0 : i32
      %dma_wait3A_323 = tpu.memref_slice %arg13[%dma_wait3A_321, %dma_wait3A_322] : memref<10000x16xf32, #tpu.memory_space<vmem_shared>> -> memref<10000x16xf32, #tpu.memory_space<vmem_shared>>
      tpu.wait_indirect_dma semaphore(%arg28 : memref<!tpu.dma_semaphore, #tpu.memory_space<semaphore_mem>>) src(%arg10 : memref<80x16xf32, #tpu.memory_space<vmem>>) dst(%dma_wait3A_323 : memref<10000x16xf32, #tpu.memory_space<vmem_shared>>)
    }
    %scan3A_61 = arith.constant 25 : i32
    %barrier3A_62 = arith.constant 0 : index
    tpu.barrier barrier_id(%barrier3A_62)
    "tpu.region"() ({
      %run_scoped3A_63 = tpu.sem_alloc : memref<!tpu.dma_semaphore, #tpu.memory_space<semaphore_mem>>
      %dma_start3A = arith.constant 0 : i32
      %dma_start3A_64 = tpu.memref_slice %arg5[%arg0, %mul3A_18, %dma_start3A] : memref<2x10000x128xbf16, #tpu.memory_space<hbm>> -> memref<1x625x128xbf16, #tpu.memory_space<hbm>>
      %dma_start3A_65 = tpu.memref_squeeze %dma_start3A_64 : memref<1x625x128xbf16, #tpu.memory_space<hbm>> -> memref<625x128xbf16, #tpu.memory_space<hbm>>
      %dma_start3A_66 = arith.constant 0 : i32
      %dma_start3A_67 = tpu.memref_slice %arg12[%mul3A_18, %dma_start3A_66] : memref<10000x128xbf16, #tpu.memory_space<vmem_shared>> -> memref<625x128xbf16, #tpu.memory_space<vmem_shared>>
      tpu.enqueue_dma source(%dma_start3A_67 : memref<625x128xbf16, #tpu.memory_space<vmem_shared>>) target(%dma_start3A_65 : memref<625x128xbf16, #tpu.memory_space<hbm>>) target_semaphore(%run_scoped3A_63 : memref<!tpu.dma_semaphore, #tpu.memory_space<semaphore_mem>>)
      %dma_wait3A = arith.constant 0 : i32
      %dma_wait3A_68 = tpu.memref_slice %arg5[%arg0, %mul3A_18, %dma_wait3A] : memref<2x10000x128xbf16, #tpu.memory_space<hbm>> -> memref<1x625x128xbf16, #tpu.memory_space<hbm>>
      %dma_wait3A_69 = tpu.memref_squeeze %dma_wait3A_68 : memref<1x625x128xbf16, #tpu.memory_space<hbm>> -> memref<625x128xbf16, #tpu.memory_space<hbm>>
      %dma_wait3A_70 = arith.constant 0 : i32
      %dma_wait3A_71 = tpu.memref_slice %arg12[%mul3A_18, %dma_wait3A_70] : memref<10000x128xbf16, #tpu.memory_space<vmem_shared>> -> memref<625x128xbf16, #tpu.memory_space<vmem_shared>>
      tpu.wait_dma2 semaphore(%run_scoped3A_63 : memref<!tpu.dma_semaphore, #tpu.memory_space<semaphore_mem>>) src(%dma_wait3A_71 : memref<625x128xbf16, #tpu.memory_space<vmem_shared>>) dst(%dma_wait3A_69 : memref<625x128xbf16, #tpu.memory_space<hbm>>)
      tpu.yield
    }) : () -> ()
    "tpu.region"() ({
      %run_scoped3A_63 = tpu.sem_alloc : memref<!tpu.dma_semaphore, #tpu.memory_space<semaphore_mem>>
      %dma_start3A = arith.constant 0 : i32
      %dma_start3A_64 = tpu.memref_slice %arg6[%arg0, %mul3A_18, %dma_start3A] : memref<2x10000x16xf32, #tpu.memory_space<hbm>> -> memref<1x625x16xf32, #tpu.memory_space<hbm>>
      %dma_start3A_65 = tpu.memref_squeeze %dma_start3A_64 : memref<1x625x16xf32, #tpu.memory_space<hbm>> -> memref<625x16xf32, #tpu.memory_space<hbm>>
      %dma_start3A_66 = arith.constant 0 : i32
      %dma_start3A_67 = tpu.memref_slice %arg13[%mul3A_18, %dma_start3A_66] : memref<10000x16xf32, #tpu.memory_space<vmem_shared>> -> memref<625x16xf32, #tpu.memory_space<vmem_shared>>
      tpu.enqueue_dma source(%dma_start3A_67 : memref<625x16xf32, #tpu.memory_space<vmem_shared>>) target(%dma_start3A_65 : memref<625x16xf32, #tpu.memory_space<hbm>>) target_semaphore(%run_scoped3A_63 : memref<!tpu.dma_semaphore, #tpu.memory_space<semaphore_mem>>)
      %dma_wait3A = arith.constant 0 : i32
      %dma_wait3A_68 = tpu.memref_slice %arg6[%arg0, %mul3A_18, %dma_wait3A] : memref<2x10000x16xf32, #tpu.memory_space<hbm>> -> memref<1x625x16xf32, #tpu.memory_space<hbm>>
      %dma_wait3A_69 = tpu.memref_squeeze %dma_wait3A_68 : memref<1x625x16xf32, #tpu.memory_space<hbm>> -> memref<625x16xf32, #tpu.memory_space<hbm>>
      %dma_wait3A_70 = arith.constant 0 : i32
      %dma_wait3A_71 = tpu.memref_slice %arg13[%mul3A_18, %dma_wait3A_70] : memref<10000x16xf32, #tpu.memory_space<vmem_shared>> -> memref<625x16xf32, #tpu.memory_space<vmem_shared>>
      tpu.wait_dma2 semaphore(%run_scoped3A_63 : memref<!tpu.dma_semaphore, #tpu.memory_space<semaphore_mem>>) src(%dma_wait3A_71 : memref<625x16xf32, #tpu.memory_space<vmem_shared>>) dst(%dma_wait3A_69 : memref<625x16xf32, #tpu.memory_space<hbm>>)
      tpu.yield
    }) : () -> ()
    return
  }
}

module attributes {stable_mosaic.version = 14 : i64} {
  func.func @_tc_body(%arg0: i32, %arg1: memref<1x2000x128xbf16, #tpu.memory_space<vmem>>, %arg2: memref<1x2000x128xbf16, #tpu.memory_space<vmem>>, %arg3: memref<1x2000x16xf32, #tpu.memory_space<vmem>>, %arg4: memref<1x2000x16xf32, #tpu.memory_space<vmem>>, %arg5: memref<128x128xf32, #tpu.memory_space<vmem>>, %arg6: memref<1x128xf32, #tpu.memory_space<vmem>>, %arg7: memref<128x128xf32, #tpu.memory_space<vmem>>, %arg8: memref<1x128xf32, #tpu.memory_space<vmem>>, %arg9: memref<2000x128xf32, #tpu.memory_space<vmem>>) attributes {dimension_semantics = [#tpu.dimension_semantics<arbitrary>], iteration_bounds = array<i64: 5>, scalar_prefetch = 0 : i64, scratch_operands = 0 : i64, tpu.core_type = #tpu.core_type<tc>, window_params = [{transform_indices = @transform_0, window_bounds = array<i64: 1, 2000, 128>}, {transform_indices = @transform_1, window_bounds = array<i64: 1, 2000, 128>}, {transform_indices = @transform_2, window_bounds = array<i64: 1, 2000, 16>}, {transform_indices = @transform_3, window_bounds = array<i64: 1, 2000, 16>}, {pipeline_mode = #tpu.pipeline_mode<synchronous>, transform_indices = @transform_4, window_bounds = array<i64: 128, 128>}, {pipeline_mode = #tpu.pipeline_mode<synchronous>, transform_indices = @transform_5, window_bounds = array<i64: 1, 128>}, {pipeline_mode = #tpu.pipeline_mode<synchronous>, transform_indices = @transform_6, window_bounds = array<i64: 128, 128>}, {pipeline_mode = #tpu.pipeline_mode<synchronous>, transform_indices = @transform_7, window_bounds = array<i64: 1, 128>}, {transform_indices = @transform_8, window_bounds = array<i64: 2000, 128>}]} {
    %get3A = arith.constant 0 : index
    %get3A_0 = arith.constant 0 : index
    %get3A_1 = arith.constant 0 : index
    %get3A_2 = vector.load %arg1[%get3A, %get3A_0, %get3A_1] : memref<1x2000x128xbf16, #tpu.memory_space<vmem>>, vector<1x2000x128xbf16>
    %get3A_3 = vector.shape_cast %get3A_2 : vector<1x2000x128xbf16> to vector<2000x128xbf16>
    %convert_element_type3A = arith.extf %get3A_3 : vector<2000x128xbf16> to vector<2000x128xf32>
    %get3A_4 = arith.constant 0 : index
    %get3A_5 = arith.constant 0 : index
    %get3A_6 = arith.constant 0 : index
    %get3A_7 = vector.load %arg2[%get3A_4, %get3A_5, %get3A_6] : memref<1x2000x128xbf16, #tpu.memory_space<vmem>>, vector<1x2000x128xbf16>
    %get3A_8 = vector.shape_cast %get3A_7 : vector<1x2000x128xbf16> to vector<2000x128xbf16>
    %convert_element_type3A_9 = arith.extf %get3A_8 : vector<2000x128xbf16> to vector<2000x128xf32>
    %add3A = arith.addf %convert_element_type3A, %convert_element_type3A_9 : vector<2000x128xf32>
    %get3A_10 = arith.constant 0 : index
    %get3A_11 = arith.constant 0 : index
    %get3A_12 = arith.constant 0 : index
    %get3A_13 = vector.load %arg3[%get3A_10, %get3A_11, %get3A_12] : memref<1x2000x16xf32, #tpu.memory_space<vmem>>, vector<1x2000x16xf32>
    %get3A_14 = vector.shape_cast %get3A_13 : vector<1x2000x16xf32> to vector<2000x16xf32>
    %get3A_15 = arith.constant 0 : index
    %get3A_16 = arith.constant 0 : index
    %get3A_17 = arith.constant 0 : index
    %get3A_18 = vector.load %arg4[%get3A_15, %get3A_16, %get3A_17] : memref<1x2000x16xf32, #tpu.memory_space<vmem>>, vector<1x2000x16xf32>
    %get3A_19 = vector.shape_cast %get3A_18 : vector<1x2000x16xf32> to vector<2000x16xf32>
    %add3A_20 = arith.addf %get3A_14, %get3A_19 : vector<2000x16xf32>
    %slice3A = vector.extract_strided_slice %add3A_20 {offsets = [0, 0], sizes = [2000, 1], strides = [1, 1]} : vector<2000x16xf32> to vector<2000x1xf32>
    %min3A = arith.constant 1.000000e+00 : f32
    %min3A_21 = vector.broadcast %min3A : f32 to vector<2000x1xf32>
    %min3A_22 = arith.minimumf %slice3A, %min3A_21 : vector<2000x1xf32>
    %max3A = arith.constant 1.000000e+00 : f32
    %max3A_23 = vector.broadcast %max3A : f32 to vector<2000x1xf32>
    %max3A_24 = arith.maximumf %slice3A, %max3A_23 : vector<2000x1xf32>
    %div3A = vector.broadcast %max3A_24 : vector<2000x1xf32> to vector<2000x128xf32>
    %div3A_25 = arith.divf %add3A, %div3A : vector<2000x128xf32>
    %get3A_26 = arith.constant 0 : index
    %get3A_27 = arith.constant 0 : index
    %get3A_28 = vector.load %arg5[%get3A_26, %get3A_27] : memref<128x128xf32, #tpu.memory_space<vmem>>, vector<128x128xf32>
    %dot_general3A = arith.constant dense<0.000000e+00> : vector<2000x128xf32>
    %dot_general3A_29 = tpu.matmul %div3A_25, %get3A_28, %dot_general3A {dimension_numbers = #tpu.dot_dimension_numbers<[1], [0], [0], [1], [0, 0, 1, 1], [], []>, transpose_lhs_hint = false} : vector<2000x128xf32>, vector<128x128xf32>, vector<2000x128xf32> -> vector<2000x128xf32>
    %get3A_30 = arith.constant 0 : index
    %get3A_31 = arith.constant 0 : index
    %get3A_32 = vector.load %arg6[%get3A_30, %get3A_31] : memref<1x128xf32, #tpu.memory_space<vmem>>, vector<1x128xf32>
    %mul3A = vector.broadcast %min3A_22 : vector<2000x1xf32> to vector<2000x128xf32>
    %mul3A_33 = vector.broadcast %get3A_32 : vector<1x128xf32> to vector<2000x128xf32>
    %mul3A_34 = arith.mulf %mul3A, %mul3A_33 : vector<2000x128xf32>
    %add3A_35 = arith.addf %dot_general3A_29, %mul3A_34 : vector<2000x128xf32>
    %max3A_36 = arith.constant 0.000000e+00 : f32
    %max3A_37 = vector.broadcast %max3A_36 : f32 to vector<2000x128xf32>
    %max3A_38 = arith.maximumf %add3A_35, %max3A_37 : vector<2000x128xf32>
    %get3A_39 = arith.constant 0 : index
    %get3A_40 = arith.constant 0 : index
    %get3A_41 = vector.load %arg7[%get3A_39, %get3A_40] : memref<128x128xf32, #tpu.memory_space<vmem>>, vector<128x128xf32>
    %dot_general3A_42 = arith.constant dense<0.000000e+00> : vector<2000x128xf32>
    %dot_general3A_43 = tpu.matmul %max3A_38, %get3A_41, %dot_general3A_42 {dimension_numbers = #tpu.dot_dimension_numbers<[1], [0], [0], [1], [0, 0, 1, 1], [], []>, transpose_lhs_hint = false} : vector<2000x128xf32>, vector<128x128xf32>, vector<2000x128xf32> -> vector<2000x128xf32>
    %get3A_44 = arith.constant 0 : index
    %get3A_45 = arith.constant 0 : index
    %get3A_46 = vector.load %arg8[%get3A_44, %get3A_45] : memref<1x128xf32, #tpu.memory_space<vmem>>, vector<1x128xf32>
    %add3A_47 = vector.broadcast %get3A_46 : vector<1x128xf32> to vector<2000x128xf32>
    %add3A_48 = arith.addf %dot_general3A_43, %add3A_47 : vector<2000x128xf32>
    %swap3A = arith.constant 0 : index
    %swap3A_49 = arith.constant 0 : index
    %swap3A_50 = vector.load %arg9[%swap3A, %swap3A_49] : memref<2000x128xf32, #tpu.memory_space<vmem>>, vector<2000x128xf32>
    tpu.vector_store %arg9[%swap3A, %swap3A_49], %add3A_48 {strides = array<i32>} : memref<2000x128xf32, #tpu.memory_space<vmem>>, vector<2000x128xf32>,
    return
  }
  func.func @transform_0(%arg0: i32) -> (i32, i32, i32) {
    %c0_i32 = arith.constant 0 : i32
    %c0_i32_0 = arith.constant 0 : i32
    %c0_i32_1 = arith.constant 0 : i32
    return %c0_i32, %arg0, %c0_i32_0 : i32, i32, i32
  }
  func.func @transform_1(%arg0: i32) -> (i32, i32, i32) {
    %c1_i32 = arith.constant 1 : i32
    %c0_i32 = arith.constant 0 : i32
    %c0_i32_0 = arith.constant 0 : i32
    return %c1_i32, %arg0, %c0_i32 : i32, i32, i32
  }
  func.func @transform_2(%arg0: i32) -> (i32, i32, i32) {
    %c0_i32 = arith.constant 0 : i32
    %c0_i32_0 = arith.constant 0 : i32
    %c0_i32_1 = arith.constant 0 : i32
    return %c0_i32, %arg0, %c0_i32_0 : i32, i32, i32
  }
  func.func @transform_3(%arg0: i32) -> (i32, i32, i32) {
    %c1_i32 = arith.constant 1 : i32
    %c0_i32 = arith.constant 0 : i32
    %c0_i32_0 = arith.constant 0 : i32
    return %c1_i32, %arg0, %c0_i32 : i32, i32, i32
  }
  func.func @transform_4(%arg0: i32) -> (i32, i32) {
    %c0_i32 = arith.constant 0 : i32
    %c0_i32_0 = arith.constant 0 : i32
    %c0_i32_1 = arith.constant 0 : i32
    return %c0_i32, %c0_i32_0 : i32, i32
  }
  func.func @transform_5(%arg0: i32) -> (i32, i32) {
    %c0_i32 = arith.constant 0 : i32
    %c0_i32_0 = arith.constant 0 : i32
    %c0_i32_1 = arith.constant 0 : i32
    return %c0_i32, %c0_i32_0 : i32, i32
  }
  func.func @transform_6(%arg0: i32) -> (i32, i32) {
    %c0_i32 = arith.constant 0 : i32
    %c0_i32_0 = arith.constant 0 : i32
    %c0_i32_1 = arith.constant 0 : i32
    return %c0_i32, %c0_i32_0 : i32, i32
  }
  func.func @transform_7(%arg0: i32) -> (i32, i32) {
    %c0_i32 = arith.constant 0 : i32
    %c0_i32_0 = arith.constant 0 : i32
    %c0_i32_1 = arith.constant 0 : i32
    return %c0_i32, %c0_i32_0 : i32, i32
  }
  func.func @transform_8(%arg0: i32) -> (i32, i32) {
    %c0_i32 = arith.constant 0 : i32
    %c0_i32_0 = arith.constant 0 : i32
    return %arg0, %c0_i32 : i32, i32
  }
}

</mosaic_0001>

<sc_bundles>
// kernel: kernel.4.cloned.1.call-start
scs
__scs_entry_jumppad:
0x0: {  	(pc) =	sbr.rel $0x88, $3  }
0x1: {  	(tag) =	ssettag $0x0;
	lr =	simm.s32 $0x1  }
0x2: {  	[smem:$0x3F9B] =	sst lr;
	_ =	strace $0xD0000000  }
0x3: {  	_ = 	snop  }
0x4: {  	_ = 	snop  }
0x5: {  	_ = 	snop  }
0x6: {  	_ = 	snop  }
0x7: {  	_ = 	snop  }
__scs_overlays_trampoline_lowered:
0x8: {  	[smem:$0x3FAA] =	sst s0  }
0x9: {  	[smem:$0x3FAB] =	sst s1  }
0xa: {  	[smem:$0x3FAC] =	sst s2  }
0xb: {  	[smem:$0x3FAD] =	sst s3  }
0xc: {  	[smem:$0x3FAE] =	sst s4  }
0xd: {  	[smem:$0x3FAF] =	sst s5  }
0xe: {  	[smem:$0x3FB0] =	sst s6  }
0xf: {  	[smem:$0x3FB1] =	sst s7  }
0x10: {  	[smem:$0x3FB2] =	sst s8  }
0x11: {  	[smem:$0x3FB3] =	sst s9;
	s0 =	simm.s32 @!p0 $0x0  }
0x12: {  	s1 =	sld [smem:$0x3F99];
	s0 =	simm.s32 @p0 $0x1  }
0x13: {  	[smem:$0x3FB4] =	sst s0;
	s0 =	simm.s32 @!p1 $0x0  }
0x14: {  	s2 =	sld [smem:$0x3F98];
	s0 =	simm.s32 @p1 $0x1  }
0x15: {  	[smem:$0x3FB5] =	sst s0;
	s0 =	simm.s32 @!p2 $0x0  }
0x16: {  	s3 =	sld [smem:$0x3FDB];
	s0 =	simm.s32 @p2 $0x1  }
0x17: {  	s4 =	simm.s32 $0x1BF5;
	[smem:$0x3FB7] =	sst s0  }
0x18: {  	s0 =	sld [smem:$0x3F9A];
	_ =	swait.ge [sflag:s4], $0x0  }
0x19: {  	s7 =	sld [smem:$0x3F9B]  }
0x1a: {  	s8 =	sadd.s32 $0xFFFFE003, lr  }
0x1b: {  	s9 =	sadd.s32 $0xFFFFFEF7, lr;
	s5 =	simm.s32 $0xFFFFFFFF;
	p2 =	slt.u32 s8, $0xFFFFF086  }
0x1c: {  	p1 =	slt.u32 s9, $0xF7A;
	s5 =	simm.s32 @!p2 $0x0  }
0x1d: {  	s5 =	simm.s32 @p1 $0x1;
	p0 =	seq.s32 s7, s2  }
0x1e: {  	s7 =	smul.u32 @!p0 $0xF7A, s2;
	p2 =	seq.s32 @!p0 s5, $0x0  }
0x1f: {  	s9 =	smul.u32 $0xF7A, s1;
	s8 =	simm.s32 @!p0 $0x1BF5;
	p2 =	por !p2, p0  }
0x20: {  	[sflag:s8] =	ssyncset.s32 @!p0 $0xFFFFF086;
	s6 =	sadd.s32 @!p0 s3, s7;
	s7 =	simm.s32 @!p0 $0x108  }
0x21: {  	s3 =	sadd.s32 s3, s9;
	s6 =	sadd.s32 @!p0 $0x88, s6;
	s7 =	simm.s32 @p2 $0x1082  }
0x22: {  	[simem:s7], [sflag:s8] =	dma.local @!p0 [hbm:s6], $0xF7A  }
0x23: {  	s9 =	sor.u32 $0xD0000000, s2;
	s6 =	simm.s32 $0x108;
	_ =	swait.ge @!p0 [sflag:s8], $0x0  }
0x24: {  	s3 =	sadd.s32 $0x88, s3;
	s6 =	simm.s32 @!p1 $0x1082;
	[sflag:s4] =	ssyncset.s32 $0xFFFFF086  }
0x25: {  	[simem:s6], [sflag:s4] =	dma.local [hbm:s3], $0xF7A  }
0x26: {  	[smem:$0x3F9B] =	sst s1;
	(tag) =	ssettag s2;
	_ =	strace s9  }
0x27: {  	s1 =	sld [smem:$0x3FAB]  }
0x28: {  	s2 =	sld [smem:$0x3FAC]  }
0x29: {  	s4 =	sld [smem:$0x3FAE]  }
0x2a: {  	p0 =	seq.s32 s5, $0x0;
	s5 =	sld [smem:$0x3FAF]  }
0x2b: {  	s6 =	sld [smem:$0x3FB0]  }
0x2c: {  	s7 =	sld [smem:$0x3FB1]  }
0x2d: {  	s3 =	simm.s32 $0x108;
	s8 =	sld [smem:$0x3FB2]  }
0x2e: {  	s3 =	simm.s32 @!p0 $0x1082;
	s9 =	sld [smem:$0x3FB3]  }
0x2f: {  	lr =	sadd.s32 s0, s3;
	s0 =	sld [smem:$0x3FAA]  }
0x30: {  	s3 =	sld [smem:$0x3FAD]  }
0x31: {  	[smem:$0x3FB6] =	sst s10  }
0x32: {  	s10 =	sld [smem:$0x3FB4];
	_ =	sdelay $0x3  }
0x33: {  	p0 =	seq.s32 s10, $0x1;
	s10 =	sld [smem:$0x3FB6];
	_ =	sdelay $0x3  }
0x34: {  	[smem:$0x3FB6] =	sst s10  }
0x35: {  	s10 =	sld [smem:$0x3FB5];
	_ =	sdelay $0x3  }
0x36: {  	p1 =	seq.s32 s10, $0x1;
	s10 =	sld [smem:$0x3FB6];
	_ =	sdelay $0x3  }
0x37: {  	[smem:$0x3FB6] =	sst s10  }
0x38: {  	s10 =	sld [smem:$0x3FB7]  }
0x39: {  	_ = 	snop;
	(pc) =	sbr.ind lr, $3  }
0x3a: {  	_ = 	snop  }
0x3b: {  	_ = 	snop  }
0x3c: {  	p2 =	seq.s32 s10, $0x1;
	s10 =	sld [smem:$0x3FB6]  }
0x3d: {  	_ =	shalt  }
0x3e: {  	_ =	shalt  }
0x3f: {  	_ =	shalt  }
0x40: {  	_ =	shalt  }
0x41: {  	_ =	shalt  }
0x42: {  	_ =	shalt  }
0x43: {  	_ =	shalt  }
0x44: {  	_ =	shalt  }
0x45: {  	_ =	shalt  }
0x46: {  	_ =	shalt  }
0x47: {  	_ =	shalt  }
0x48: {  	_ =	shalt  }
0x49: {  	_ =	shalt  }
0x4a: {  	_ =	shalt  }
0x4b: {  	_ =	shalt  }
0x4c: {  	_ =	shalt  }
0x4d: {  	_ =	shalt  }
0x4e: {  	_ =	shalt  }
0x4f: {  	_ =	shalt  }
0x50: {  	_ =	shalt  }
0x51: {  	_ =	shalt  }
0x52: {  	_ =	shalt  }
0x53: {  	_ =	shalt  }
0x54: {  	_ =	shalt  }
0x55: {  	_ =	shalt  }
0x56: {  	_ =	shalt  }
0x57: {  	_ =	shalt  }
0x58: {  	_ =	shalt  }
0x59: {  	_ =	shalt  }
0x5a: {  	_ =	shalt  }
0x5b: {  	_ =	shalt  }
0x5c: {  	_ =	shalt  }
0x5d: {  	_ =	shalt  }
0x5e: {  	_ =	shalt  }
0x5f: {  	_ =	shalt  }
0x60: {  	_ =	shalt  }
0x61: {  	_ =	shalt  }
0x62: {  	_ =	shalt  }
0x63: {  	_ =	shalt  }
0x64: {  	_ =	shalt  }
0x65: {  	_ =	shalt  }
0x66: {  	_ =	shalt  }
0x67: {  	_ =	shalt  }
0x68: {  	_ =	shalt  }
0x69: {  	_ =	shalt  }
0x6a: {  	_ =	shalt  }
0x6b: {  	_ =	shalt  }
0x6c: {  	_ =	shalt  }
0x6d: {  	_ =	shalt  }
0x6e: {  	_ =	shalt  }
0x6f: {  	_ =	shalt  }
0x70: {  	_ =	shalt  }
0x71: {  	_ =	shalt  }
0x72: {  	_ =	shalt  }
0x73: {  	_ =	shalt  }
0x74: {  	_ =	shalt  }
0x75: {  	_ =	shalt  }
0x76: {  	_ =	shalt  }
0x77: {  	_ =	shalt  }
0x78: {  	_ =	shalt  }
0x79: {  	_ =	shalt  }
0x7a: {  	_ =	shalt  }
0x7b: {  	_ =	shalt  }
0x7c: {  	_ =	shalt  }
0x7d: {  	_ =	shalt  }
0x7e: {  	_ =	shalt  }
0x7f: {  	_ =	shalt  }
0x80: {  	_ =	shalt  }
0x81: {  	_ =	shalt  }
0x82: {  	_ =	shalt  }
0x83: {  	_ =	shalt  }
0x84: {  	_ =	shalt  }
0x85: {  	_ =	shalt  }
0x86: {  	_ =	shalt  }
0x87: {  	_ =	shalt  }
.Lfunc_end0:
.L_simem_size_0:
called_computation_lowered:
.L_overlay_start_0:
0x88: {  	s2 =	sld [smem:$0x3FD9]  }
0x89: {  	s3 =	sld [smem:$0x3FFE];
	_ =	sdelay $0x1  }
0x8a: {  	s1 =	srdreg.scid  }
0x8b: {  	s0 =	sand.u32 $0x1, s1  }
0x8c: {  	s17 =	sshll.u32 s0, $0xA;
	s2 =	sadd.s32 s3, s2  }
0x8d: {  	s2 =	sadd.s32 s2, s17  }
0x8e: {  	[smem:$0x3FC2] =	sst s2  }
0x8f: {  	_ = 	snop  }
0x90: {  	s2 =	sld [smem:$0x3FD0];
	(tm) =	ssettm $0x1  }
0x91: {  	s18 =	sld [smem:$0x3FFB];
	_ =	sdelay $0x3  }
0x92: {  	_ =	strace s18  }
0x93: {  	s3 =	sld [smem:$0x3FFC];
	_ =	sdelay $0x3  }
0x94: {  	_ =	strace s3  }
0x95: {  	s3 =	sld [smem:$0x3FFD];
	_ =	sdelay $0x3  }
0x96: {  	_ =	strace s3  }
0x97: {  	_ =	strace $0x8FFFFFFF  }
0x98: {  	s19 =	sld [smem:$0x3FDB];
	_ =	sdelay $0x1  }
0x99: {  	s4 =	simm.s32 $_scs_section_size  }
0x9a: {  	s5 =	simm.s32 $_size__tile_overlayer_lowered;
	s6 =	simm.s32 $_tile_overlayer_lowered  }
0x9b: {  	s22 =	simm.s32 $0x1BFF;
	s21 =	sshll.u32 s6, $0x1;
	s3 =	sadd.s32 s4, s19  }
0x9c: {  	s7 =	simm.s32 $0x0;
	s20 =	sshll.u32 s5, $0x1;
	s5 =	sadd.s32 s21, s3  }
0x9d: {  	[timem:s7], [sflag:s22] =	dma.local [hbm:s5], s20  }
0x9e: {  	_ =	swait.ge [sflag:s22], s20  }
0x9f: {  	s4 =	ssub.s32 $0x0, s20;
	[sflag:s22] =	ssyncset.done $0x0  }
0xa0: {  	[sflag:s22] =	ssyncadd.s32 s4;
	_ =	sdelay $0x1  }
0xa1: {  	s23 =	simm.s32 $0x1B8B  }
0xa2: {  	_ =	swait.ge [sflag:s23], $0x1  }
0xa3: {  	[sflag:s23] =	ssyncset.done $0x0  }
0xa4: {  	s25 =	simm.s32 $0x1B8E;
	s24 =	sld [smem:$0x3FFE];
	[sflag:s23] =	ssyncadd.s32 $0xFFFFFFFF  }
0xa5: {  	s26 =	simm.s32 $execute0_lowered;
	[smem:$0x3FD2] =	sst s25  }
0xa6: {  	s5 =	sshll.u32 s26, $0x1;
	_ =	strace $0x80000046;
	[dreg:$0x1] =	wrdreg $0xFFFFFFFF  }
0xa7: {  	s28 =	simm.s32 $_size_execute0_lowered;
	s3 =	sadd.s32 s3, s5;
	[dreg:$0x0] =	wrdreg $0x0  }
0xa8: {  	s5 =	sshll.u32 s28, $0x1;
	[dreg:$0x2] =	wrdreg s3  }
0xa9: {  	[dreg:$0x3] =	wrdreg s5  }
0xaa: {  	[dreg:$0x4] =	wrdreg $0xC0  }
0xab: {  	_ =	task [dreg:s7], $0x5FFFF  }
0xac: {  	[dreg:$0x1] =	wrdreg $0xFFFFFFFF  }
0xad: {  	[dreg:$0x0] =	wrdreg $0x60  }
0xae: {  	[dreg:$0x2] =	wrdreg s24  }
0xaf: {  	[dreg:$0x3] =	wrdreg s2  }
0xb0: {  	[dreg:$0x4] =	wrdreg $0xBC200  }
0xb1: {  	[dreg:$0x5] =	wrdreg $0x158600  }
0xb2: {  	[dreg:$0x6] =	wrdreg $0x9  }
0xb3: {  	_ =	task.clear_ibuf [dreg:s7], $0x7FFFF;
	_ =	strace $0x90000046  }
0xb4: {  	s29 =	simm.s32 $0x9;
	_ =	strace $0x80000048  }
0xb5: {  	_ =	swait.ge [sflag:s29], $0x1  }
0xb6: {  	[sflag:s29] =	ssyncadd.s32 $0xFFFFFFFF  }
0xb7: {  	_ =	strace $0x90000048  }
0xb8: {  	_ =	sfence  }
0xb9: {  	s30 =	sld [smem:$0x0];
	_ =	sdelay $0x2  }
0xba: {  	s31 =	sshll.u32 s1, $0xD;
	s1 =	sshrl.u32 s1, $0x2  }
0xbb: {  	s3 =	sand.u32 $0x4000, s31;
	s1 =	sadd.s32 s1, s30  }
0xbc: {  	s0 =	sor.u32 s3, s0;
	s1 =	sshll.u32 s1, $0x11  }
0xbd: {  	s0 =	sor.u32 s1, s0  }
0xbe: {  	s0 =	sadd.s32 $0x8F2B, s0  }
0xbf: {  	[sflag:s0] =	ssyncadd.remote.s32 $0x1  }
0xc0: {  	_ =	sfence.sel $0xFFFF  }
0xc1: {  	[dreg:$0x0] =	wrdreg $0xFFFFFFFF;
	(pc) =	sbr.abs _section_cstart, $3  }
0xc2: {  	[dreg:$0x1] =	wrdreg $0xFFFFFFFF  }
0xc3: {  	_ =	task.clear_ibuf [dreg:s7], $0x2FFFF;
	_ =	strace $0x9FFFFFFF  }
0xc4: {  	(tm) =	ssettm $0x7FFFFFFF  }
0xc5: {  	_ =	shalt  }
tec
execute0_lowered:
.L_overlay_start_1:
0x0: {  	(tag) =	ssettag $0x1  }
0x1: {  	s1 =	rddreg [dreg:$0x0]  }
0x2: {  	s0 =	srdreg.scid;
	s4 =	rddreg [dreg:$0x1]  }
0x3: {  	s12 =	stileid.u32;
	s2 =	rddreg [dreg:$0x2]  }
0x4: {  	s17 =	simm.s32 $0x0;
	s28 =	simm.s32 $0x10;
	s7 =	smul.u32 $0x2710, s12  }
0x5: {  	s30 =	simm.s32 $0x4E20;
	s0 =	sand.u32 $0x1, s0;
	s11 =	smul.u32 $0x13880, s12  }
0x6: {  	[smem:$0x7FF] =	sst s17;
	s3 =	sshll.u32 s0, $0x4;
	s8 =	smul.u32 $0x27100, s0  }
0x7: {  	s9 =	ssub.s32 $0x2, s0;
	s0 =	smul.u32 $0x138800, s0;
	s5 =	sor.u32 s12, s3  }
0x8: {  	s3 =	rddreg [dreg:$0x3];
	_ =	strace $0x80000047;
	s10 =	sshrl.u32 s9, $0x1  }
0x9: {  	s19 =	sshrl.u32 s11, $0x1;
	s6 =	smul.u32 $0x4E2, s5;
	s5 =	sadd.s32 $0xC00, s1  }
0xa: {  	s8 =	sadd.s32 s7, s8;
	s31 =	sadd.s32 s19, s2;
	s20 =	sadd.s32 s7, s3  }
0xb: {  	s0 =	sadd.s32 s11, s0;
	s8 =	sshrl.u32 s8, $0x3;
	[dreg:$0x8] =	wrdreg s20  }
0xc: {  	s0 =	sshrl.u32 s0, $0x4;
	[dreg:$0x7] =	wrdreg s31;
	s6 =	sadd.s32 s6, s1  }
0xd: {  	s1 =	sadd.s32 s8, s1;
	s8 =	ssub.s32 s9, s10;
	s0 =	sadd.s32 s4, s0  }
0xe: {  	s9 =	smul.u32 $0x271, s12;
	s18 =	sadd.s32 $0x1E400, s6;
	[dreg:$0x13] =	wrdreg s0  }
0xf: {  	s29 =	simm.s32 $0x7620;
	s6 =	sadd.s32 $0x14600, s6;
	[dreg:$0x5] =	wrdreg s18  }
0x10: {  	s11 =	simm.s32 $0x2;
	[dreg:$0x6] =	wrdreg s6;
	s21 =	sadd.s32 $0x50, s9  }
0x11: {  	s23 =	sadd.s32 $0xA0, s9;
	s26 =	sadd.s32 $0xF0, s9;
	s13 =	sadd.s32 $0x140, s9  }
0x12: {  	s15 =	sadd.s32 $0x190, s9;
	s19 =	sadd.s32 $0x1E0, s9;
	s22 =	sshll.u32 s21, $0x6  }
0x13: {  	s6 =	sshll.u32 s21, $0x4;
	s24 =	sshll.u32 s23, $0x6;
	s25 =	sshll.u32 s23, $0x4  }
0x14: {  	s10 =	sshll.u32 s26, $0x6;
	s14 =	sshll.u32 s13, $0x6;
	s16 =	sshll.u32 s15, $0x6  }
0x15: {  	s18 =	sshll.u32 s15, $0x4;
	s20 =	sshll.u32 s19, $0x6;
	s21 =	sshll.u32 s19, $0x4  }
0x16: {  	s15 =	simm.s32 $0x6;
	s19 =	simm.s32 $0x8;
	s7 =	sadd.s32 s22, s2  }
0x17: {  	s6 =	sadd.s32 s6, s3;
	s17 =	sadd.s32 s16, s2;
	[dreg:$0x9] =	wrdreg s7  }
0x18: {  	s0 =	sadd.s32 s20, s2;
	s22 =	sadd.s32 $0x230, s9;
	[dreg:$0xa] =	wrdreg s6  }
0x19: {  	s16 =	simm.s32 $0xB;
	s20 =	simm.s32 $0xD;
	[dreg:$0x11] =	wrdreg s17  }
0x1a: {  	s6 =	sadd.s32 s24, s2;
	s7 =	sshll.u32 s26, $0x4;
	[dreg:$0x14] =	wrdreg s0  }
0x1b: {  	s0 =	sadd.s32 s21, s3;
	s23 =	sshll.u32 s22, $0x6;
	[dreg:$0xb] =	wrdreg s6  }
0x1c: {  	s4 =	sshll.u32 s22, $0x4;
	s26 =	smax.u32 s8, $0x1;
	[dreg:$0x15] =	wrdreg s0  }
0x1d: {  	s17 =	simm.s32 $0x7;
	s6 =	sadd.s32 s25, s3;
	[dreg:$0x19] =	wrdreg s26  }
0x1e: {  	s21 =	simm.s32 $0x9;
	s12 =	sadd.s32 s7, s3;
	[dreg:$0xc] =	wrdreg s6  }
0x1f: {  	s22 =	simm.s32 $0xE;
	s7 =	sadd.s32 s14, s2;
	[dreg:$0xe] =	wrdreg s12  }
0x20: {  	s0 =	sadd.s32 s23, s2;
	s24 =	sadd.s32 s4, s3;
	[dreg:$0xf] =	wrdreg s7  }
0x21: {  	s25 =	sadd.s32 $0x28200, s1;
	s1 =	simm.s32 $0x50;
	[dreg:$0x16] =	wrdreg s0  }
0x22: {  	s4 =	simm.s32 $0x8A20;
	s14 =	simm.s32 $0x5;
	[dreg:$0x17] =	wrdreg s24  }
0x23: {  	s23 =	simm.s32 $0xA;
	s6 =	sadd.s32 s10, s2;
	[dreg:$0x18] =	wrdreg s25  }
0x24: {  	s0 =	simm.s32 $0x6220;
	s7 =	simm.s32 $0x1;
	s10 =	simm.s32 $0xB220  }
0x25: {  	s12 =	simm.s32 $0x3;
	[dreg:$0xd] =	wrdreg s6;
	s6 =	sshll.u32 s13, $0x4  }
0x26: {  	s24 =	simm.s32 $0xF;
	s25 =	simm.s32 $0x0;
	s6 =	sadd.s32 s6, s3  }
0x27: {  	s13 =	simm.s32 $0x4;
	[dreg:$0x10] =	wrdreg s6;
	s6 =	sadd.s32 s18, s3  }
0x28: {  	v0 =	vimm.bf16 $0.0e+00;
	v1 =	vimm.f32 $1.000000000e+00;
	v2 =	vimm.f32 $0.0e+00;
	s18 =	simm.s32 $0xC;
	[dreg:$0x12] =	wrdreg s6;
	s6 =	simm.s32 $0x9E20  }
.LBB2_1:
0x29: {  	s8 =	simm.s32 $0x0;
	s9 =	rddreg [dreg:$0x5]  }
0x2a: {  	[tilespmem:s8], [sflag:$0x10] =	stream.linear.gather [hbm4b:s9+s8], $0x2710, $0x38;
	[tilespmem:$0x17F70] =	vst v63  }
0x2b: {  	_ =	swait.ge [sflag:s28], $0x2710  }
0x2c: {  	[sflag:s28] =	ssyncset.done $0x0  }
0x2d: {  	s26 =	simm.s32 $0x2710;
	s9 =	rddreg [dreg:$0x6];
	[sflag:s28] =	ssyncadd.s32 $0xFFFFD8F0  }
0x2e: {  	[tilespmem:s26], [sflag:$0x10] =	stream.linear.gather [hbm4b:s9+s8], $0x2710, $0x38;
	[tilespmem:$0x17F70] =	vst v63  }
0x2f: {  	_ =	swait.ge [sflag:s28], $0x2710  }
0x30: {  	[sflag:s28] =	ssyncset.done $0x0  }
0x31: {  	s8 =	simm.s32 $0x0;
	[sflag:s28] =	ssyncadd.s32 $0xFFFFD8F0  }
.LBB2_2:
0x32: {  	p0 =	sne.s32 s8, $0x4FC0  }
.Ltmp0:
0x33: {  	_ = 	snop;
	(pc) =	sbr.rel @p0 .LBB2_2-.Ltmp0, $4  }
0x34: {  	_ = 	snop  }
0x35: {  	s9 =	sand.u32 $0x7FC0, s8  }
0x36: {  	s9 =	sshrl.u32 s9, $0x2  }
0x37: {  	s8 =	sadd.s32 $0x40, s8;
	[tilespmem:s9+$0x4E20] =	vst v0  }
0x38: {  	s8 =	simm.s32 $0x40;
	s9 =	simm.s32 $0x0  }
.LBB2_4:
0x39: {  	p0 =	sne.s32 s8, $0x13C0;
	[tilespmem:s9+$0xB220] =	vst v1;
	s26 =	smov.u32 s8;
	s8 =	sadd.s32 $0x40, s8  }
.Ltmp1:
0x3a: {  	[tilespmem:s9+$0xB720] =	vst v2;
	(pc) =	sbr.rel @p0 .LBB2_4-.Ltmp1, $2  }
0x3b: {  	_ =	sdelay $0x2  }
0x3c: {  	s9 =	sshra.s32 s26, $0x2  }
0x3d: {  	[tilespmem:s9+$0xB220] =	vst v1  }
0x3e: {  	[tilespmem:s9+$0xB720] =	vst v2  }
0x3f: {  	[spmem:s31] =	stream.linear.scatter [tilespmem:s30], [sflag:$0x10], $0x1400, $0x38;
	[tilespmem:$0x17F70] =	vst v63  }
0x40: {  	_ =	swait.ge [sflag:s28], $0x1400  }
0x41: {  	[sflag:s28] =	ssyncset.done $0x0  }
0x42: {  	s9 =	simm.s32 $0xB720;
	s8 =	rddreg [dreg:$0x8];
	[sflag:s28] =	ssyncadd.s32 $0xFFFFEC00  }
0x43: {  	[spmem:s8] =	stream.linear.scatter [tilespmem:s9], [sflag:$0x10], $0x500, $0x38;
	[tilespmem:$0x17F70] =	vst v63  }
0x44: {  	_ =	swait.ge [sflag:s28], $0x500  }
0x45: {  	[sflag:s28] =	ssyncset.done $0x0  }
0x46: {  	s31 =	rddreg [dreg:$0x9];
	[sflag:s28] =	ssyncadd.s32 $0xFFFFFB00  }
0x47: {  	[spmem:s31] =	stream.linear.scatter [tilespmem:s30], [sflag:$0x10], $0x1400, $0x38;
	[tilespmem:$0x17F70] =	vst v63  }
0x48: {  	_ =	swait.ge [sflag:s28], $0x1400  }
0x49: {  	[sflag:s28] =	ssyncset.done $0x0  }
0x4a: {  	s26 =	rddreg [dreg:$0xa];
	[sflag:s28] =	ssyncadd.s32 $0xFFFFEC00  }
0x4b: {  	[spmem:s26] =	stream.linear.scatter [tilespmem:s9], [sflag:$0x10], $0x500, $0x38;
	[tilespmem:$0x17F70] =	vst v63  }
0x4c: {  	_ =	swait.ge [sflag:s28], $0x500  }
0x4d: {  	[sflag:s28] =	ssyncset.done $0x0  }
0x4e: {  	s31 =	rddreg [dreg:$0xb];
	[sflag:s28] =	ssyncadd.s32 $0xFFFFFB00  }
0x4f: {  	[spmem:s31] =	stream.linear.scatter [tilespmem:s30], [sflag:$0x10], $0x1400, $0x38;
	[tilespmem:$0x17F70] =	vst v63  }
0x50: {  	_ =	swait.ge [sflag:s28], $0x1400  }
0x51: {  	[sflag:s28] =	ssyncset.done $0x0  }
0x52: {  	s26 =	rddreg [dreg:$0xc];
	[sflag:s28] =	ssyncadd.s32 $0xFFFFEC00  }
0x53: {  	[spmem:s26] =	stream.linear.scatter [tilespmem:s9], [sflag:$0x10], $0x500, $0x38;
	[tilespmem:$0x17F70] =	vst v63  }
0x54: {  	_ =	swait.ge [sflag:s28], $0x500  }
0x55: {  	[sflag:s28] =	ssyncset.done $0x0  }
0x56: {  	s31 =	rddreg [dreg:$0xd];
	[sflag:s28] =	ssyncadd.s32 $0xFFFFFB00  }
0x57: {  	[spmem:s31] =	stream.linear.scatter [tilespmem:s30], [sflag:$0x10], $0x1400, $0x38;
	[tilespmem:$0x17F70] =	vst v63  }
0x58: {  	_ =	swait.ge [sflag:s28], $0x1400  }
0x59: {  	[sflag:s28] =	ssyncset.done $0x0  }
0x5a: {  	s26 =	rddreg [dreg:$0xe];
	[sflag:s28] =	ssyncadd.s32 $0xFFFFEC00  }
0x5b: {  	[spmem:s26] =	stream.linear.scatter [tilespmem:s9], [sflag:$0x10], $0x500, $0x38;
	[tilespmem:$0x17F70] =	vst v63  }
0x5c: {  	_ =	swait.ge [sflag:s28], $0x500  }
0x5d: {  	[sflag:s28] =	ssyncset.done $0x0  }
0x5e: {  	s31 =	rddreg [dreg:$0xf];
	[sflag:s28] =	ssyncadd.s32 $0xFFFFFB00  }
0x5f: {  	[spmem:s31] =	stream.linear.scatter [tilespmem:s30], [sflag:$0x10], $0x1400, $0x38;
	[tilespmem:$0x17F70] =	vst v63  }
0x60: {  	_ =	swait.ge [sflag:s28], $0x1400  }
0x61: {  	[sflag:s28] =	ssyncset.done $0x0  }
0x62: {  	s26 =	rddreg [dreg:$0x10];
	[sflag:s28] =	ssyncadd.s32 $0xFFFFEC00  }
0x63: {  	[spmem:s26] =	stream.linear.scatter [tilespmem:s9], [sflag:$0x10], $0x500, $0x38;
	[tilespmem:$0x17F70] =	vst v63  }
0x64: {  	_ =	swait.ge [sflag:s28], $0x500  }
0x65: {  	[sflag:s28] =	ssyncset.done $0x0  }
0x66: {  	s31 =	rddreg [dreg:$0x11];
	[sflag:s28] =	ssyncadd.s32 $0xFFFFFB00  }
0x67: {  	[spmem:s31] =	stream.linear.scatter [tilespmem:s30], [sflag:$0x10], $0x1400, $0x38;
	[tilespmem:$0x17F70] =	vst v63  }
0x68: {  	_ =	swait.ge [sflag:s28], $0x1400  }
0x69: {  	[sflag:s28] =	ssyncset.done $0x0  }
0x6a: {  	s26 =	rddreg [dreg:$0x12];
	[sflag:s28] =	ssyncadd.s32 $0xFFFFEC00  }
0x6b: {  	[spmem:s26] =	stream.linear.scatter [tilespmem:s9], [sflag:$0x10], $0x500, $0x38;
	[tilespmem:$0x17F70] =	vst v63  }
0x6c: {  	_ =	swait.ge [sflag:s28], $0x500  }
0x6d: {  	[sflag:s28] =	ssyncset.done $0x0  }
0x6e: {  	s31 =	rddreg [dreg:$0x14];
	[sflag:s28] =	ssyncadd.s32 $0xFFFFFB00  }
0x6f: {  	[spmem:s31] =	stream.linear.scatter [tilespmem:s30], [sflag:$0x10], $0x1400, $0x38;
	[tilespmem:$0x17F70] =	vst v63  }
0x70: {  	_ =	swait.ge [sflag:s28], $0x1400  }
0x71: {  	[sflag:s28] =	ssyncset.done $0x0  }
0x72: {  	s26 =	rddreg [dreg:$0x15];
	[sflag:s28] =	ssyncadd.s32 $0xFFFFEC00  }
0x73: {  	[spmem:s26] =	stream.linear.scatter [tilespmem:s9], [sflag:$0x10], $0x500, $0x38;
	[tilespmem:$0x17F70] =	vst v63  }
0x74: {  	_ =	swait.ge [sflag:s28], $0x500  }
0x75: {  	[sflag:s28] =	ssyncset.done $0x0  }
0x76: {  	s31 =	rddreg [dreg:$0x16];
	[sflag:s28] =	ssyncadd.s32 $0xFFFFFB00  }
0x77: {  	[spmem:s31] =	stream.linear.scatter [tilespmem:s30], [sflag:$0x10], $0x1040, $0x38;
	[tilespmem:$0x17F70] =	vst v63  }
0x78: {  	_ =	swait.ge [sflag:s28], $0x1040  }
0x79: {  	[sflag:s28] =	ssyncset.done $0x0  }
0x7a: {  	s26 =	rddreg [dreg:$0x17];
	[sflag:s28] =	ssyncadd.s32 $0xFFFFEFC0  }
0x7b: {  	[spmem:s26] =	stream.linear.scatter [tilespmem:s9], [sflag:$0x10], $0x410, $0x38;
	[tilespmem:$0x17F70] =	vst v63  }
0x7c: {  	_ =	swait.ge [sflag:s28], $0x410  }
0x7d: {  	[sflag:s28] =	ssyncset.done $0x0  }
0x7e: {  	[sflag:s28] =	ssyncadd.s32 $0xFFFFFBF0  }
0x7f: {  	s31 =	simm.s32 $0x0;
	[bflag:$0x0] =	sbarrier.arrive $0xFFFF  }
0x80: {  	[tilespmem:s30], [sflag:$0x1] =	stream.indirect.gather [hbm4b:s5+s1], $0x40, s31, s1, $0xb8;
	[tilespmem:$0x17F70] =	vst v63  }
0x81: {  	s9 =	simm.s32 $0x50  }
0x82: {  	[tilespmem:s0], [sflag:$0x2] =	stream.indirect.gather [hbm4b:s5+s1], $0x40, s9, s1, $0xb8;
	[tilespmem:$0x17F70] =	vst v63  }
0x83: {  	s26 =	simm.s32 $0xA0  }
0x84: {  	[tilespmem:s29], [sflag:$0x3] =	stream.indirect.gather [hbm4b:s5+s1], $0x40, s26, s1, $0xb8;
	[tilespmem:$0x17F70] =	vst v63  }
0x85: {  	s31 =	simm.s32 $0xF0  }
0x86: {  	[tilespmem:s4], [sflag:$0x4] =	stream.indirect.gather [hbm4b:s5+s1], $0x40, s31, s1, $0xb8;
	[tilespmem:$0x17F70] =	vst v63  }
0x87: {  	s9 =	simm.s32 $0x140  }
0x88: {  	[tilespmem:s6], [sflag:$0x5] =	stream.indirect.gather [hbm4b:s5+s1], $0x40, s9, s1, $0xb8;
	[tilespmem:$0x17F70] =	vst v63  }
0x89: {  	_ =	swait.ge [sflag:s7], $0x1400  }
0x8a: {  	[sflag:s7] =	ssyncset.done $0x0  }
0x8b: {  	s26 =	simm.s32 $0x2710;
	[sflag:s7] =	ssyncadd.s32 $0xFFFFEC00  }
0x8c: {  	[spmem:s2] =	stream.indirect.scatter.add.bf16 [tilespmem:s30], [sflag:$0x6], $0x40, s26, s1, $0xb8;
	[tilespmem:$0x17F70] =	vst v63  }
0x8d: {  	_ = 	snop  }
0x8e: {  	[spmem:s3] =	stream.indirect.scatter.add.f32 [tilespmem:s10], [sflag:$0xB], $0x10, s26, s1, $0xb8;
	[tilespmem:$0x17F70] =	vst v63  }
0x8f: {  	_ =	swait.ge [sflag:s11], $0x1400  }
0x90: {  	[sflag:s11] =	ssyncset.done $0x0  }
0x91: {  	s31 =	simm.s32 $0x2760;
	[sflag:s11] =	ssyncadd.s32 $0xFFFFEC00  }
0x92: {  	[spmem:s2] =	stream.indirect.scatter.add.bf16 [tilespmem:s0], [sflag:$0x7], $0x40, s31, s1, $0xb8;
	[tilespmem:$0x17F70] =	vst v63  }
0x93: {  	_ = 	snop  }
0x94: {  	[spmem:s3] =	stream.indirect.scatter.add.f32 [tilespmem:s10], [sflag:$0xC], $0x10, s31, s1, $0xb8;
	[tilespmem:$0x17F70] =	vst v63  }
0x95: {  	_ =	swait.ge [sflag:s12], $0x1400  }
0x96: {  	[sflag:s12] =	ssyncset.done $0x0  }
0x97: {  	s9 =	simm.s32 $0x27B0;
	[sflag:s12] =	ssyncadd.s32 $0xFFFFEC00  }
0x98: {  	[spmem:s2] =	stream.indirect.scatter.add.bf16 [tilespmem:s29], [sflag:$0x8], $0x40, s9, s1, $0xb8;
	[tilespmem:$0x17F70] =	vst v63  }
0x99: {  	_ = 	snop  }
0x9a: {  	[spmem:s3] =	stream.indirect.scatter.add.f32 [tilespmem:s10], [sflag:$0xD], $0x10, s9, s1, $0xb8;
	[tilespmem:$0x17F70] =	vst v63  }
0x9b: {  	_ =	swait.ge [sflag:s13], $0x1400  }
0x9c: {  	[sflag:s13] =	ssyncset.done $0x0  }
0x9d: {  	s26 =	simm.s32 $0x2800;
	[sflag:s13] =	ssyncadd.s32 $0xFFFFEC00  }
0x9e: {  	[spmem:s2] =	stream.indirect.scatter.add.bf16 [tilespmem:s4], [sflag:$0x9], $0x40, s26, s1, $0xb8;
	[tilespmem:$0x17F70] =	vst v63  }
0x9f: {  	_ = 	snop  }
0xa0: {  	[spmem:s3] =	stream.indirect.scatter.add.f32 [tilespmem:s10], [sflag:$0xE], $0x10, s26, s1, $0xb8;
	[tilespmem:$0x17F70] =	vst v63  }
0xa1: {  	_ =	swait.ge [sflag:s14], $0x1400  }
0xa2: {  	[sflag:s14] =	ssyncset.done $0x0  }
0xa3: {  	s31 =	simm.s32 $0x2850;
	[sflag:s14] =	ssyncadd.s32 $0xFFFFEC00  }
0xa4: {  	[spmem:s2] =	stream.indirect.scatter.add.bf16 [tilespmem:s6], [sflag:$0xA], $0x40, s31, s1, $0xb8;
	[tilespmem:$0x17F70] =	vst v63  }
0xa5: {  	_ = 	snop  }
0xa6: {  	[spmem:s3] =	stream.indirect.scatter.add.f32 [tilespmem:s10], [sflag:$0xF], $0x10, s31, s1, $0xb8;
	[tilespmem:$0x17F70] =	vst v63  }
0xa7: {  	_ =	swait.ge [sflag:s15], $0x1400  }
0xa8: {  	[sflag:s15] =	ssyncset.done $0x0  }
0xa9: {  	[sflag:s15] =	ssyncadd.s32 $0xFFFFEC00  }
0xaa: {  	_ =	swait.ge [sflag:s16], $0x500  }
0xab: {  	[sflag:s16] =	ssyncset.done $0x0  }
0xac: {  	[sflag:s16] =	ssyncadd.s32 $0xFFFFFB00  }
0xad: {  	_ =	swait.ge [sflag:s17], $0x1400  }
0xae: {  	[sflag:s17] =	ssyncset.done $0x0  }
0xaf: {  	[sflag:s17] =	ssyncadd.s32 $0xFFFFEC00  }
0xb0: {  	_ =	swait.ge [sflag:s18], $0x500  }
0xb1: {  	[sflag:s18] =	ssyncset.done $0x0  }
0xb2: {  	[sflag:s18] =	ssyncadd.s32 $0xFFFFFB00  }
0xb3: {  	_ =	swait.ge [sflag:s19], $0x1400  }
0xb4: {  	[sflag:s19] =	ssyncset.done $0x0  }
0xb5: {  	[sflag:s19] =	ssyncadd.s32 $0xFFFFEC00  }
0xb6: {  	_ =	swait.ge [sflag:s20], $0x500  }
0xb7: {  	[sflag:s20] =	ssyncset.done $0x0  }
0xb8: {  	[sflag:s20] =	ssyncadd.s32 $0xFFFFFB00  }
0xb9: {  	_ =	swait.ge [sflag:s21], $0x1400  }
0xba: {  	[sflag:s21] =	ssyncset.done $0x0  }
0xbb: {  	[sflag:s21] =	ssyncadd.s32 $0xFFFFEC00  }
0xbc: {  	_ =	swait.ge [sflag:s22], $0x500  }
0xbd: {  	[sflag:s22] =	ssyncset.done $0x0  }
0xbe: {  	[sflag:s22] =	ssyncadd.s32 $0xFFFFFB00  }
0xbf: {  	_ =	swait.ge [sflag:s23], $0x1400  }
0xc0: {  	[sflag:s23] =	ssyncset.done $0x0  }
0xc1: {  	[sflag:s23] =	ssyncadd.s32 $0xFFFFEC00  }
0xc2: {  	_ =	swait.ge [sflag:s24], $0x500  }
0xc3: {  	s8 =	simm.s32 $0xC80;
	s26 =	simm.s32 $0x640;
	[sflag:s24] =	ssyncset.done $0x0  }
.LBB2_6:
0xc4: {  	s9 =	sshra.s32 s26, $0x2  }
0xc5: {  	[sflag:s24] =	ssyncadd.s32 $0xFFFFFB00;
	s26 =	smov.u32 s8;
	s31 =	sadd.s32 $0x640, s8  }
0xc6: {  	[tilespmem:s30], [sflag:$0x1] =	stream.indirect.gather [hbm4b:s5+s1], $0x40, s9, s1, $0xb8;
	[tilespmem:$0x17F70] =	vst v63  }
0xc7: {  	p0 =	sne.s32 s8, $0x9600;
	s8 =	sadd.s32 $0x50, s9  }
0xc8: {  	[tilespmem:s0], [sflag:$0x2] =	stream.indirect.gather [hbm4b:s5+s1], $0x40, s8, s1, $0xb8;
	[tilespmem:$0x17F70] =	vst v63  }
0xc9: {  	s8 =	sadd.s32 $0xA0, s9  }
0xca: {  	[tilespmem:s29], [sflag:$0x3] =	stream.indirect.gather [hbm4b:s5+s1], $0x40, s8, s1, $0xb8;
	[tilespmem:$0x17F70] =	vst v63  }
0xcb: {  	s8 =	sadd.s32 $0xF0, s9  }
0xcc: {  	[tilespmem:s4], [sflag:$0x4] =	stream.indirect.gather [hbm4b:s5+s1], $0x40, s8, s1, $0xb8;
	[tilespmem:$0x17F70] =	vst v63  }
0xcd: {  	s8 =	sadd.s32 $0x140, s9  }
0xce: {  	[tilespmem:s6], [sflag:$0x5] =	stream.indirect.gather [hbm4b:s5+s1], $0x40, s8, s1, $0xb8;
	[tilespmem:$0x17F70] =	vst v63  }
0xcf: {  	_ =	swait.ge [sflag:s7], $0x1400  }
0xd0: {  	[sflag:s7] =	ssyncset.done $0x0  }
0xd1: {  	s8 =	sadd.s32 $0x2710, s9;
	[sflag:s7] =	ssyncadd.s32 $0xFFFFEC00  }
0xd2: {  	[spmem:s2] =	stream.indirect.scatter.add.bf16 [tilespmem:s30], [sflag:$0x6], $0x40, s8, s1, $0xb8;
	[tilespmem:$0x17F70] =	vst v63  }
0xd3: {  	_ = 	snop  }
0xd4: {  	[spmem:s3] =	stream.indirect.scatter.add.f32 [tilespmem:s10], [sflag:$0xB], $0x10, s8, s1, $0xb8;
	[tilespmem:$0x17F70] =	vst v63  }
0xd5: {  	_ =	swait.ge [sflag:s11], $0x1400  }
0xd6: {  	[sflag:s11] =	ssyncset.done $0x0  }
0xd7: {  	s8 =	sadd.s32 $0x2760, s9;
	[sflag:s11] =	ssyncadd.s32 $0xFFFFEC00  }
0xd8: {  	[spmem:s2] =	stream.indirect.scatter.add.bf16 [tilespmem:s0], [sflag:$0x7], $0x40, s8, s1, $0xb8;
	[tilespmem:$0x17F70] =	vst v63  }
0xd9: {  	_ = 	snop  }
0xda: {  	[spmem:s3] =	stream.indirect.scatter.add.f32 [tilespmem:s10], [sflag:$0xC], $0x10, s8, s1, $0xb8;
	[tilespmem:$0x17F70] =	vst v63  }
0xdb: {  	_ =	swait.ge [sflag:s12], $0x1400  }
0xdc: {  	[sflag:s12] =	ssyncset.done $0x0  }
0xdd: {  	s8 =	sadd.s32 $0x27B0, s9;
	[sflag:s12] =	ssyncadd.s32 $0xFFFFEC00  }
0xde: {  	[spmem:s2] =	stream.indirect.scatter.add.bf16 [tilespmem:s29], [sflag:$0x8], $0x40, s8, s1, $0xb8;
	[tilespmem:$0x17F70] =	vst v63  }
0xdf: {  	_ = 	snop  }
0xe0: {  	[spmem:s3] =	stream.indirect.scatter.add.f32 [tilespmem:s10], [sflag:$0xD], $0x10, s8, s1, $0xb8;
	[tilespmem:$0x17F70] =	vst v63  }
0xe1: {  	_ =	swait.ge [sflag:s13], $0x1400  }
0xe2: {  	[sflag:s13] =	ssyncset.done $0x0  }
0xe3: {  	s8 =	sadd.s32 $0x2800, s9;
	[sflag:s13] =	ssyncadd.s32 $0xFFFFEC00  }
0xe4: {  	[spmem:s2] =	stream.indirect.scatter.add.bf16 [tilespmem:s4], [sflag:$0x9], $0x40, s8, s1, $0xb8;
	[tilespmem:$0x17F70] =	vst v63  }
0xe5: {  	_ = 	snop  }
0xe6: {  	[spmem:s3] =	stream.indirect.scatter.add.f32 [tilespmem:s10], [sflag:$0xE], $0x10, s8, s1, $0xb8;
	[tilespmem:$0x17F70] =	vst v63  }
0xe7: {  	_ =	swait.ge [sflag:s14], $0x1400  }
0xe8: {  	[sflag:s14] =	ssyncset.done $0x0  }
0xe9: {  	s8 =	sadd.s32 $0x2850, s9;
	[sflag:s14] =	ssyncadd.s32 $0xFFFFEC00  }
0xea: {  	[spmem:s2] =	stream.indirect.scatter.add.bf16 [tilespmem:s6], [sflag:$0xA], $0x40, s8, s1, $0xb8;
	[tilespmem:$0x17F70] =	vst v63  }
0xeb: {  	_ = 	snop  }
0xec: {  	[spmem:s3] =	stream.indirect.scatter.add.f32 [tilespmem:s10], [sflag:$0xF], $0x10, s8, s1, $0xb8;
	[tilespmem:$0x17F70] =	vst v63  }
0xed: {  	_ =	swait.ge [sflag:s15], $0x1400  }
0xee: {  	[sflag:s15] =	ssyncset.done $0x0  }
0xef: {  	[sflag:s15] =	ssyncadd.s32 $0xFFFFEC00  }
0xf0: {  	_ =	swait.ge [sflag:s16], $0x500  }
0xf1: {  	[sflag:s16] =	ssyncset.done $0x0  }
0xf2: {  	[sflag:s16] =	ssyncadd.s32 $0xFFFFFB00  }
0xf3: {  	_ =	swait.ge [sflag:s17], $0x1400  }
0xf4: {  	[sflag:s17] =	ssyncset.done $0x0  }
0xf5: {  	[sflag:s17] =	ssyncadd.s32 $0xFFFFEC00  }
0xf6: {  	_ =	swait.ge [sflag:s18], $0x500  }
0xf7: {  	[sflag:s18] =	ssyncset.done $0x0  }
0xf8: {  	[sflag:s18] =	ssyncadd.s32 $0xFFFFFB00  }
0xf9: {  	_ =	swait.ge [sflag:s19], $0x1400  }
0xfa: {  	[sflag:s19] =	ssyncset.done $0x0  }
0xfb: {  	[sflag:s19] =	ssyncadd.s32 $0xFFFFEC00  }
0xfc: {  	_ =	swait.ge [sflag:s20], $0x500  }
0xfd: {  	[sflag:s20] =	ssyncset.done $0x0  }
0xfe: {  	[sflag:s20] =	ssyncadd.s32 $0xFFFFFB00  }
0xff: {  	_ =	swait.ge [sflag:s21], $0x1400  }
0x100: {  	[sflag:s21] =	ssyncset.done $0x0  }
0x101: {  	[sflag:s21] =	ssyncadd.s32 $0xFFFFEC00  }
0x102: {  	_ =	swait.ge [sflag:s22], $0x500  }
0x103: {  	[sflag:s22] =	ssyncset.done $0x0  }
0x104: {  	[sflag:s22] =	ssyncadd.s32 $0xFFFFFB00  }
.Ltmp2:
0x105: {  	_ =	swait.ge [sflag:s23], $0x1400;
	(pc) =	sbr.rel @p0 .LBB2_6-.Ltmp2, $4  }
0x106: {  	[sflag:s23] =	ssyncset.done $0x0  }
0x107: {  	[sflag:s23] =	ssyncadd.s32 $0xFFFFEC00  }
0x108: {  	_ =	swait.ge [sflag:s24], $0x500  }
0x109: {  	s8 =	smov.u32 s31;
	[sflag:s24] =	ssyncset.done $0x0  }
0x10a: {  	s8 =	sshra.s32 s26, $0x2;
	[sflag:s24] =	ssyncadd.s32 $0xFFFFFB00  }
0x10b: {  	[tilespmem:s30], [sflag:$0x1] =	stream.indirect.gather [hbm4b:s5+s1], $0x40, s8, s1, $0xb8;
	[tilespmem:$0x17F70] =	vst v63  }
0x10c: {  	s9 =	sadd.s32 $0x50, s8  }
0x10d: {  	[tilespmem:s0], [sflag:$0x2] =	stream.indirect.gather [hbm4b:s5+s1], $0x40, s9, s1, $0xb8;
	[tilespmem:$0x17F70] =	vst v63  }
0x10e: {  	s26 =	sadd.s32 $0xA0, s8  }
0x10f: {  	[tilespmem:s29], [sflag:$0x3] =	stream.indirect.gather [hbm4b:s5+s1], $0x40, s26, s1, $0xb8;
	[tilespmem:$0x17F70] =	vst v63  }
0x110: {  	s26 =	sadd.s32 $0xF0, s8  }
0x111: {  	[tilespmem:s4], [sflag:$0x4] =	stream.indirect.gather [hbm4b:s5+s1], $0x40, s26, s1, $0xb8;
	[tilespmem:$0x17F70] =	vst v63  }
0x112: {  	s26 =	sadd.s32 $0x140, s8  }
0x113: {  	[tilespmem:s6], [sflag:$0x5] =	stream.indirect.gather [hbm4b:s5+s1], $0x40, s26, s1, $0xb8;
	[tilespmem:$0x17F70] =	vst v63  }
0x114: {  	_ =	swait.ge [sflag:s7], $0x1400  }
0x115: {  	[sflag:s7] =	ssyncset.done $0x0  }
0x116: {  	s26 =	sadd.s32 $0x2710, s8;
	[sflag:s7] =	ssyncadd.s32 $0xFFFFEC00  }
0x117: {  	[spmem:s2] =	stream.indirect.scatter.add.bf16 [tilespmem:s30], [sflag:$0x6], $0x40, s26, s1, $0xb8;
	[tilespmem:$0x17F70] =	vst v63  }
0x118: {  	_ = 	snop  }
0x119: {  	[spmem:s3] =	stream.indirect.scatter.add.f32 [tilespmem:s10], [sflag:$0xB], $0x10, s26, s1, $0xb8;
	[tilespmem:$0x17F70] =	vst v63  }
0x11a: {  	_ =	swait.ge [sflag:s11], $0x1400  }
0x11b: {  	[sflag:s11] =	ssyncset.done $0x0  }
0x11c: {  	s26 =	sadd.s32 $0x2760, s8;
	[sflag:s11] =	ssyncadd.s32 $0xFFFFEC00  }
0x11d: {  	[spmem:s2] =	stream.indirect.scatter.add.bf16 [tilespmem:s0], [sflag:$0x7], $0x40, s26, s1, $0xb8;
	[tilespmem:$0x17F70] =	vst v63  }
0x11e: {  	_ = 	snop  }
0x11f: {  	[spmem:s3] =	stream.indirect.scatter.add.f32 [tilespmem:s10], [sflag:$0xC], $0x10, s26, s1, $0xb8;
	[tilespmem:$0x17F70] =	vst v63  }
0x120: {  	_ =	swait.ge [sflag:s12], $0x1400  }
0x121: {  	[sflag:s12] =	ssyncset.done $0x0  }
0x122: {  	s26 =	sadd.s32 $0x27B0, s8;
	[sflag:s12] =	ssyncadd.s32 $0xFFFFEC00  }
0x123: {  	[spmem:s2] =	stream.indirect.scatter.add.bf16 [tilespmem:s29], [sflag:$0x8], $0x40, s26, s1, $0xb8;
	[tilespmem:$0x17F70] =	vst v63  }
0x124: {  	_ = 	snop  }
0x125: {  	[spmem:s3] =	stream.indirect.scatter.add.f32 [tilespmem:s10], [sflag:$0xD], $0x10, s26, s1, $0xb8;
	[tilespmem:$0x17F70] =	vst v63  }
0x126: {  	_ =	swait.ge [sflag:s13], $0x1400  }
0x127: {  	[sflag:s13] =	ssyncset.done $0x0  }
0x128: {  	s26 =	sadd.s32 $0x2800, s8;
	[sflag:s13] =	ssyncadd.s32 $0xFFFFEC00  }
0x129: {  	[spmem:s2] =	stream.indirect.scatter.add.bf16 [tilespmem:s4], [sflag:$0x9], $0x40, s26, s1, $0xb8;
	[tilespmem:$0x17F70] =	vst v63  }
0x12a: {  	_ = 	snop  }
0x12b: {  	[spmem:s3] =	stream.indirect.scatter.add.f32 [tilespmem:s10], [sflag:$0xE], $0x10, s26, s1, $0xb8;
	[tilespmem:$0x17F70] =	vst v63  }
0x12c: {  	_ =	swait.ge [sflag:s14], $0x1400  }
0x12d: {  	[sflag:s14] =	ssyncset.done $0x0  }
0x12e: {  	s8 =	sadd.s32 $0x2850, s8;
	[sflag:s14] =	ssyncadd.s32 $0xFFFFEC00  }
0x12f: {  	[spmem:s2] =	stream.indirect.scatter.add.bf16 [tilespmem:s6], [sflag:$0xA], $0x40, s8, s1, $0xb8;
	[tilespmem:$0x17F70] =	vst v63  }
0x130: {  	_ = 	snop  }
0x131: {  	[spmem:s3] =	stream.indirect.scatter.add.f32 [tilespmem:s10], [sflag:$0xF], $0x10, s8, s1, $0xb8;
	[tilespmem:$0x17F70] =	vst v63  }
0x132: {  	_ =	swait.ge [sflag:s15], $0x1400  }
0x133: {  	[sflag:s15] =	ssyncset.done $0x0  }
0x134: {  	[sflag:s15] =	ssyncadd.s32 $0xFFFFEC00  }
0x135: {  	_ =	swait.ge [sflag:s16], $0x500  }
0x136: {  	[sflag:s16] =	ssyncset.done $0x0  }
0x137: {  	[sflag:s16] =	ssyncadd.s32 $0xFFFFFB00  }
0x138: {  	_ =	swait.ge [sflag:s17], $0x1400  }
0x139: {  	[sflag:s17] =	ssyncset.done $0x0  }
0x13a: {  	[sflag:s17] =	ssyncadd.s32 $0xFFFFEC00  }
0x13b: {  	_ =	swait.ge [sflag:s18], $0x500  }
0x13c: {  	[sflag:s18] =	ssyncset.done $0x0  }
0x13d: {  	[sflag:s18] =	ssyncadd.s32 $0xFFFFFB00  }
0x13e: {  	_ =	swait.ge [sflag:s19], $0x1400  }
0x13f: {  	[sflag:s19] =	ssyncset.done $0x0  }
0x140: {  	[sflag:s19] =	ssyncadd.s32 $0xFFFFEC00  }
0x141: {  	_ =	swait.ge [sflag:s20], $0x500  }
0x142: {  	[sflag:s20] =	ssyncset.done $0x0  }
0x143: {  	[sflag:s20] =	ssyncadd.s32 $0xFFFFFB00  }
0x144: {  	_ =	swait.ge [sflag:s21], $0x1400  }
0x145: {  	[sflag:s21] =	ssyncset.done $0x0  }
0x146: {  	[sflag:s21] =	ssyncadd.s32 $0xFFFFEC00  }
0x147: {  	_ =	swait.ge [sflag:s22], $0x500  }
0x148: {  	[sflag:s22] =	ssyncset.done $0x0  }
0x149: {  	[sflag:s22] =	ssyncadd.s32 $0xFFFFFB00  }
0x14a: {  	_ =	swait.ge [sflag:s23], $0x1400  }
0x14b: {  	[sflag:s23] =	ssyncset.done $0x0  }
0x14c: {  	[sflag:s23] =	ssyncadd.s32 $0xFFFFEC00  }
0x14d: {  	_ =	swait.ge [sflag:s24], $0x500  }
0x14e: {  	[sflag:s24] =	ssyncset.done $0x0  }
0x14f: {  	[sflag:s24] =	ssyncadd.s32 $0xFFFFFB00  }
0x150: {  	s9 =	stileid.u32;
	[bflag:$0x0] =	sbarrier.arrive $0xFFFF  }
0x151: {  	s8 =	sshll.u32 s9, $0x6;
	s31 =	rddreg [dreg:$0x7]  }
0x152: {  	s8 =	sor.u32 $0x1C10, s8;
	s26 =	rddreg [dreg:$0x13];
	s9 =	sshrl.u32 s31, $0x3  }
0x153: {  	[hbm:s26], [sflag:s8] =	dma.local [spmem:s9], $0x1388  }
0x154: {  	_ =	swait.ge [sflag:s28], $0x1388  }
0x155: {  	[sflag:s28] =	ssyncset.done $0x0;
	s26 =	rddreg [dreg:$0x8]  }
0x156: {  	[sflag:s28] =	ssyncadd.s32 $0xFFFFEC78;
	s9 =	sshrl.u32 s26, $0x3;
	s26 =	rddreg [dreg:$0x18]  }
0x157: {  	[hbm:s26], [sflag:s8] =	dma.local [spmem:s9], $0x4E2  }
0x158: {  	_ =	swait.ge [sflag:s28], $0x4E2  }
0x159: {  	s25 =	sadd.s32 $0x1, s25;
	s26 =	rddreg [dreg:$0x19]  }
0x15a: {  	p0 =	sne.s32 s25, s26  }
.Ltmp3:
0x15b: {  	_ = 	snop;
	(pc) =	sbr.rel @p0 .LBB2_1-.Ltmp3, $3  }
0x15c: {  	_ =	sdelay $0x1  }
0x15d: {  	[sflag:s28] =	ssyncset.done $0x0  }
0x15e: {  	[sflag:s28] =	ssyncadd.s32 $0xFFFFFB1E  }
0x15f: {  	_ =	sfence.sel $0x180000  }
0x160: {  	[bflag:$0x0] =	sbarrier.arrive $0xFFFF  }
0x161: {  	_ =	strace $0x90000047  }
0x162: {  	s0 =	stileid.u32;
	[bflag:$0x2] =	sbarrier.arrive $0xFFFF  }
0x163: {  	p0 =	sne.s32 s0, $0x0;
	s0 =	rddreg [dreg:$0x4]  }
0x164: {  	s0 =	sadd.s32 @!p0 $0x100000, s0  }
0x165: {  	[sflag:s0] =	ssyncadd.tile.s32 @!p0 $0x1;
	_ =	shalt  }
.Lfunc_end2:
_tile_overlayer_lowered:
.L_overlay_start_2:
0x166: {  	(tag) =	ssettag $0x2  }
0x167: {  	s0 =	rddreg [dreg:$0x0];
	s2 =	stileid.u32  }
0x168: {  	s1 =	rddreg [dreg:$0x1];
	p0 =	sne.s32 s2, $0x0  }
0x169: {  	s3 =	rddreg [dreg:$0x2];
	[bflag:$0x3] =	sbarrier.arrive $0xFFFF;
	s2 =	simm.s32 @!p0 $0x1C10  }
0x16a: {  	[timem:s3], [sflag:s2] =	dma.local @!p0 [hbm:s0], s1  }
0x16b: {  	s0 =	simm.s32 @!p0 $0x10  }
0x16c: {  	_ =	swait.ge @!p0 [sflag:s0], s1  }
0x16d: {  	s1 =	ssub.s32 @!p0 $0x0, s1;
	[sflag:s0] =	ssyncset.done @!p0 $0x0  }
0x16e: {  	[sflag:s0] =	ssyncadd.s32 @!p0 s1  }
0x16f: {  	[bflag:$0x3] =	sbarrier.arrive $0xFFFF  }
0x170: {  	_ =	shalt  }

</sc_bundles>
